<compile_context>
chip_gen: v7x
topology: tpu7x:2x2x1
jax: 0.10.2.dev20260603
libtpu: 0.0.44.dev20260713+nightly
codegen_flags: <defaults>
</compile_context>

<pallas_src>
import jax
import jax.numpy as jnp
from jax import lax
from jax.experimental import pallas as pl
from jax.experimental.pallas import tpu as pltpu
from jax.experimental.pallas import tpu_sc as plsc

_NUM_HISTOGRAM = 1000
_EMBED = 16
_LOWER = 0.0
_STEP = (1.0 - 0.0) / _NUM_HISTOGRAM

_B, _L = 16384, 200
_NC, _NS = 2, 16
_NW = _NC * _NS
_BBLK = _B // _NW
_LCH = 4
_NCHUNK = _L // _LCH
_LANES = 16
_NG = _BBLK // _LANES


_TSTRIDE = 17


def _body(scores_hbm, table_hbm, out_hbm, s_bufs, rows_bufs, table_v, stage_v,
          sem_s, sem_o):
    pltpu.sync_copy(table_hbm, stage_v)

    @plsc.parallel_loop(0, _NUM_HISTOGRAM, 1, unroll=4)
    def _init(r):
        table_v[pl.ds(r * _TSTRIDE, _EMBED)] = stage_v[pl.ds(r * _EMBED, _EMBED)]

    wid = lax.axis_index("s") * _NC + lax.axis_index("c")
    b0 = wid * _BBLK

    def start_s(ci, buf):
        pltpu.async_copy(
            scores_hbm.at[pl.ds(ci * _LCH, _LCH), pl.ds(b0, _BBLK)], buf, sem_s
        )

    def wait_s(buf):
        pltpu.make_async_copy(
            scores_hbm.at[pl.ds(0, _LCH), pl.ds(b0, _BBLK)], buf, sem_s
        ).wait()

    def start_o(ci, buf):
        pltpu.async_copy(
            buf,
            out_hbm.at[pl.ds(ci * _LCH, _LCH), pl.ds(0, _EMBED), pl.ds(b0, _BBLK)],
            sem_o,
        )

    def wait_o(buf):
        pltpu.make_async_copy(
            buf,
            out_hbm.at[pl.ds(0, _LCH), pl.ds(0, _EMBED), pl.ds(b0, _BBLK)],
            sem_o,
        ).wait()

    def compute(s_v, rows_v):
        @plsc.parallel_loop(0, _LCH * _NG, 1, unroll=2)
        def _loop(i):
            li = lax.shift_right_logical(i, 5)
            g = lax.bitwise_and(i, _NG - 1)
            s = s_v[li, pl.ds(g * _LANES, _LANES)]
            base = ((s - _LOWER) / _STEP).astype(jnp.int32) * _TSTRIDE
            vals = [
                plsc.load_gather(table_v, [base + col])
                for col in range(_EMBED)
            ]
            for col in range(_EMBED):
                rows_v[li, col, pl.ds(g * _LANES, _LANES)] = vals[col]

    start_s(0, s_bufs[0])
    start_s(1, s_bufs[1])
    for k in range(2):
        wait_s(s_bufs[k])
        compute(s_bufs[k], rows_bufs[k])
        start_o(k, rows_bufs[k])
        start_s(k + 2, s_bufs[k])

    def pair_body(pi, carry):
        for k in range(2):
            ci = pi * 2 + k
            wait_s(s_bufs[k])
            wait_o(rows_bufs[k])
            compute(s_bufs[k], rows_bufs[k])
            start_o(ci, rows_bufs[k])

            @pl.when(ci + 2 < _NCHUNK)
            def _():
                start_s(ci + 2, s_bufs[k])

        return carry

    lax.fori_loop(1, _NCHUNK // 2, pair_body, 0)
    wait_o(rows_bufs[0])
    wait_o(rows_bufs[1])


def kernel(scores, table):
    f = pl.kernel(
        _body,
        out_type=jax.ShapeDtypeStruct((_L, _EMBED, _B), jnp.float32),
        mesh=plsc.VectorSubcoreMesh(core_axis_name="c", subcore_axis_name="s"),
        compiler_params=pltpu.CompilerParams(needs_layout_passes=False),
        scratch_types=[
            [pltpu.VMEM((_LCH, _BBLK), jnp.float32) for _ in range(2)],
            [pltpu.VMEM((_LCH, _EMBED, _BBLK), jnp.float32) for _ in range(2)],
            pltpu.VMEM((_NUM_HISTOGRAM * _TSTRIDE,), jnp.float32),
            pltpu.VMEM((_NUM_HISTOGRAM * _EMBED,), jnp.float32),
            pltpu.SemaphoreType.DMA,
            pltpu.SemaphoreType.DMA,
        ],
    )
    out_t = f(scores.T, table.reshape(_NUM_HISTOGRAM * _EMBED))
    return jnp.transpose(out_t, (2, 0, 1))

# --- scband reference (transcript-rebuilt; emitter-appended) ---
"""Pipeline reference for scband-auxiliary-embedding-65189013618958 (READ-ONLY COPY).

The authoritative reference and input builder live on the scoring server;
editing this copy changes nothing except your own understanding.
"""

import jax, jax.numpy as jnp
import numpy as np

NUM_HISTOGRAM = 1000
EMBED = 16
LOWER = 0.0
STEP = (1.0 - 0.0) / NUM_HISTOGRAM


def setup_inputs(seed: int = 0) -> dict:
    key = jax.random.key(seed)
    k1, k2 = jax.random.split(key)
    # scores uniform in [0, 1) -> histogram_index in [0, NUM_HISTOGRAM)
    scores = jax.random.uniform(k1, (16384, 200), dtype=jnp.float32)
    # learned positional_embedding table: [num_histogram, histogram_embed_size]
    table = jax.random.normal(k2, (NUM_HISTOGRAM, EMBED), dtype=jnp.float32)
    return {"scores": scores, "table": table}


def reference(scores, table):
    # histogram_index = (scores - lower_boundary) / histogram_step, truncated to int
    histogram_index = ((scores - LOWER) / STEP).astype(jnp.int32)
    # embedding lookup: [B, L] -> [B, L, EMBED]
    score_embed = jnp.take(table, histogram_index, axis=0)
    return score_embed

if __name__ == "__main__":
    import jax
    _d = setup_inputs()
    print(jax.jit(kernel)(*tuple(_d.values())))

</pallas_src>

<mosaic_0001>
#map = affine_map<(d0, d1) -> (0, 0)>
#map1 = affine_map<(d0, d1) -> (0)>
#map2 = affine_map<(d0, d1) -> (0, 0, 0)>
module attributes {stable_mosaic.version = 14 : i64} {
  func.func @_body(%arg0: i32, %arg1: i32, %arg2: memref<200x16384xf32, #tpu.memory_space<hbm>>, %arg3: memref<16000xf32, #tpu.memory_space<hbm>>, %arg4: memref<200x16x16384xf32, #tpu.memory_space<hbm>>, %arg5: memref<4x512xf32, #tpu.memory_space<vmem>>, %arg6: memref<4x512xf32, #tpu.memory_space<vmem>>, %arg7: memref<4x16x512xf32, #tpu.memory_space<vmem>>, %arg8: memref<4x16x512xf32, #tpu.memory_space<vmem>>, %arg9: memref<17000xf32, #tpu.memory_space<vmem>>, %arg10: memref<16000xf32, #tpu.memory_space<vmem>>, %arg11: memref<!tpu.dma_semaphore, #tpu.memory_space<semaphore_mem>>, %arg12: memref<!tpu.dma_semaphore, #tpu.memory_space<semaphore_mem>>) attributes {dimension_semantics = [#tpu.dimension_semantics<core_parallel>, #tpu.dimension_semantics<subcore_parallel>], iteration_bounds = array<i64: 2, 16>, scalar_prefetch = 0 : i64, scratch_operands = 8 : i64, tpu.core_type = #tpu.core_type<sc_vector_subcore>, window_params = [{transform_indices = #map}, {transform_indices = #map1}, {transform_indices = #map2}]} {
    "tpu.region"() ({
      %run_scoped3A = tpu.sem_alloc : memref<!tpu.dma_semaphore, #tpu.memory_space<semaphore_mem>>
      tpu.enqueue_dma source(%arg3 : memref<16000xf32, #tpu.memory_space<hbm>>) target(%arg10 : memref<16000xf32, #tpu.memory_space<vmem>>) target_semaphore(%run_scoped3A : memref<!tpu.dma_semaphore, #tpu.memory_space<semaphore_mem>>)
      tpu.wait_dma2 semaphore(%run_scoped3A : memref<!tpu.dma_semaphore, #tpu.memory_space<semaphore_mem>>) src(%arg3 : memref<16000xf32, #tpu.memory_space<hbm>>) dst(%arg10 : memref<16000xf32, #tpu.memory_space<vmem>>)
      tpu.yield
    }) : () -> ()
    %parallel_loop3A = arith.constant 0 : i32
    %parallel_loop3A_0 = arith.constant 1000 : i32
    %parallel_loop3A_1 = arith.constant 1 : i32
    scf.for %parallel_loop3A_62 = %parallel_loop3A to %parallel_loop3A_0 step %parallel_loop3A_1  : i32 {
      %parallel_loop3A_63 = arith.constant 16 : i32
      %parallel_loop3A_64 = arith.muli %parallel_loop3A_62, %parallel_loop3A_63 : i32
      %parallel_loop3A_65 = arith.index_cast %parallel_loop3A_64 : i32 to index
      %parallel_loop3A_66 = tpu.vector_load %arg10[%parallel_loop3A_65] {strides = array<i32>} : memref<16000xf32, #tpu.memory_space<vmem>>, vector<16xf32>,
      %parallel_loop3A_67 = arith.constant 17 : i32
      %parallel_loop3A_68 = arith.muli %parallel_loop3A_62, %parallel_loop3A_67 : i32
      %parallel_loop3A_69 = arith.index_cast %parallel_loop3A_68 : i32 to index
      %parallel_loop3A_70 = tpu.vector_load %arg9[%parallel_loop3A_69] {strides = array<i32>} : memref<17000xf32, #tpu.memory_space<vmem>>, vector<16xf32>,
      tpu.vector_store %arg9[%parallel_loop3A_69], %parallel_loop3A_66 {strides = array<i32>} : memref<17000xf32, #tpu.memory_space<vmem>>, vector<16xf32>,
    } {sc.loop_unroll_factor = 4 : i64, sc.parallel_access}
    %mul3A = arith.constant 2 : i32
    %mul3A_2 = arith.muli %arg1, %mul3A : i32
    %add3A = arith.addi %mul3A_2, %arg0 : i32
    %mul3A_3 = arith.constant 512 : i32
    %mul3A_4 = arith.muli %add3A, %mul3A_3 : i32
    %dma_start3A = arith.constant 0 : i32
    %dma_start3A_5 = tpu.memref_slice %arg2[%dma_start3A, %mul3A_4] : memref<200x16384xf32, #tpu.memory_space<hbm>> -> memref<4x512xf32, #tpu.memory_space<hbm>>
    %dma_start3A_6 = arith.constant 0 : i32
    %dma_start3A_7 = tpu.memref_slice %arg2[%dma_start3A_6, %mul3A_4] : memref<200x16384xf32, #tpu.memory_space<hbm>> -> memref<4x512xf32, #tpu.memory_space<hbm>>
    tpu.enqueue_dma source(%dma_start3A_7 : memref<4x512xf32, #tpu.memory_space<hbm>>) target(%arg5 : memref<4x512xf32, #tpu.memory_space<vmem>>) target_semaphore(%arg11 : memref<!tpu.dma_semaphore, #tpu.memory_space<semaphore_mem>>)
    %dma_start3A_8 = arith.constant 4 : i32
    %dma_start3A_9 = tpu.memref_slice %arg2[%dma_start3A_8, %mul3A_4] : memref<200x16384xf32, #tpu.memory_space<hbm>> -> memref<4x512xf32, #tpu.memory_space<hbm>>
    %dma_start3A_10 = arith.constant 4 : i32
    %dma_start3A_11 = tpu.memref_slice %arg2[%dma_start3A_10, %mul3A_4] : memref<200x16384xf32, #tpu.memory_space<hbm>> -> memref<4x512xf32, #tpu.memory_space<hbm>>
    tpu.enqueue_dma source(%dma_start3A_11 : memref<4x512xf32, #tpu.memory_space<hbm>>) target(%arg6 : memref<4x512xf32, #tpu.memory_space<vmem>>) target_semaphore(%arg11 : memref<!tpu.dma_semaphore, #tpu.memory_space<semaphore_mem>>)
    %dma_wait3A = arith.constant 0 : i32
    %dma_wait3A_12 = tpu.memref_slice %arg2[%dma_wait3A, %mul3A_4] : memref<200x16384xf32, #tpu.memory_space<hbm>> -> memref<4x512xf32, #tpu.memory_space<hbm>>
    %dma_wait3A_13 = arith.constant 0 : i32
    %dma_wait3A_14 = tpu.memref_slice %arg2[%dma_wait3A_13, %mul3A_4] : memref<200x16384xf32, #tpu.memory_space<hbm>> -> memref<4x512xf32, #tpu.memory_space<hbm>>
    tpu.wait_dma2 semaphore(%arg11 : memref<!tpu.dma_semaphore, #tpu.memory_space<semaphore_mem>>) src(%dma_wait3A_14 : memref<4x512xf32, #tpu.memory_space<hbm>>) dst(%arg5 : memref<4x512xf32, #tpu.memory_space<vmem>>)
    %parallel_loop3A_15 = arith.constant 0 : i32
    %parallel_loop3A_16 = arith.constant 128 : i32
    %parallel_loop3A_17 = arith.constant 1 : i32
    scf.for %parallel_loop3A_62 = %parallel_loop3A_15 to %parallel_loop3A_16 step %parallel_loop3A_17  : i32 {
      %parallel_loop3A_63 = arith.constant 5 : i32
      %parallel_loop3A_64 = arith.shrui %parallel_loop3A_62, %parallel_loop3A_63 : i32
      %parallel_loop3A_65 = arith.constant 31 : i32
      %parallel_loop3A_66 = arith.andi %parallel_loop3A_62, %parallel_loop3A_65 : i32
      %parallel_loop3A_67 = arith.constant 16 : i32
      %parallel_loop3A_68 = arith.muli %parallel_loop3A_66, %parallel_loop3A_67 : i32
      %parallel_loop3A_69 = arith.index_cast %parallel_loop3A_64 : i32 to index
      %parallel_loop3A_70 = arith.index_cast %parallel_loop3A_68 : i32 to index
      %parallel_loop3A_71 = tpu.vector_load %arg5[%parallel_loop3A_69, %parallel_loop3A_70] {strides = array<i32>} : memref<4x512xf32, #tpu.memory_space<vmem>>, vector<16xf32>,
      %parallel_loop3A_72 = arith.constant 0.000000e+00 : f32
      %parallel_loop3A_73 = vector.broadcast %parallel_loop3A_72 : f32 to vector<16xf32>
      %parallel_loop3A_74 = arith.subf %parallel_loop3A_71, %parallel_loop3A_73 : vector<16xf32>
      %parallel_loop3A_75 = arith.constant 1.000000e-03 : f32
      %parallel_loop3A_76 = vector.broadcast %parallel_loop3A_75 : f32 to vector<16xf32>
      %parallel_loop3A_77 = arith.divf %parallel_loop3A_74, %parallel_loop3A_76 : vector<16xf32>
      %parallel_loop3A_78 = arith.fptosi %parallel_loop3A_77 : vector<16xf32> to vector<16xi32>
      %parallel_loop3A_79 = arith.constant 17 : i32
      %parallel_loop3A_80 = vector.broadcast %parallel_loop3A_79 : i32 to vector<16xi32>
      %parallel_loop3A_81 = arith.muli %parallel_loop3A_78, %parallel_loop3A_80 : vector<16xi32>
      %parallel_loop3A_82 = arith.constant 0 : i32
      %parallel_loop3A_83 = vector.broadcast %parallel_loop3A_82 : i32 to vector<16xi32>
      %parallel_loop3A_84 = arith.addi %parallel_loop3A_81, %parallel_loop3A_83 : vector<16xi32>
      %parallel_loop3A_85 = tpu.vector_load_idx %arg9[%parallel_loop3A_84] : memref<17000xf32, #tpu.memory_space<vmem>>[vector<16xi32>], vector<16xf32>,
      %parallel_loop3A_86 = arith.constant 1 : i32
      %parallel_loop3A_87 = vector.broadcast %parallel_loop3A_86 : i32 to vector<16xi32>
      %parallel_loop3A_88 = arith.addi %parallel_loop3A_81, %parallel_loop3A_87 : vector<16xi32>
      %parallel_loop3A_89 = tpu.vector_load_idx %arg9[%parallel_loop3A_88] : memref<17000xf32, #tpu.memory_space<vmem>>[vector<16xi32>], vector<16xf32>,
      %parallel_loop3A_90 = arith.constant 2 : i32
      %parallel_loop3A_91 = vector.broadcast %parallel_loop3A_90 : i32 to vector<16xi32>
      %parallel_loop3A_92 = arith.addi %parallel_loop3A_81, %parallel_loop3A_91 : vector<16xi32>
      %parallel_loop3A_93 = tpu.vector_load_idx %arg9[%parallel_loop3A_92] : memref<17000xf32, #tpu.memory_space<vmem>>[vector<16xi32>], vector<16xf32>,
      %parallel_loop3A_94 = arith.constant 3 : i32
      %parallel_loop3A_95 = vector.broadcast %parallel_loop3A_94 : i32 to vector<16xi32>
      %parallel_loop3A_96 = arith.addi %parallel_loop3A_81, %parallel_loop3A_95 : vector<16xi32>
      %parallel_loop3A_97 = tpu.vector_load_idx %arg9[%parallel_loop3A_96] : memref<17000xf32, #tpu.memory_space<vmem>>[vector<16xi32>], vector<16xf32>,
      %parallel_loop3A_98 = arith.constant 4 : i32
      %parallel_loop3A_99 = vector.broadcast %parallel_loop3A_98 : i32 to vector<16xi32>
      %parallel_loop3A_100 = arith.addi %parallel_loop3A_81, %parallel_loop3A_99 : vector<16xi32>
      %parallel_loop3A_101 = tpu.vector_load_idx %arg9[%parallel_loop3A_100] : memref<17000xf32, #tpu.memory_space<vmem>>[vector<16xi32>], vector<16xf32>,
      %parallel_loop3A_102 = arith.constant 5 : i32
      %parallel_loop3A_103 = vector.broadcast %parallel_loop3A_102 : i32 to vector<16xi32>
      %parallel_loop3A_104 = arith.addi %parallel_loop3A_81, %parallel_loop3A_103 : vector<16xi32>
      %parallel_loop3A_105 = tpu.vector_load_idx %arg9[%parallel_loop3A_104] : memref<17000xf32, #tpu.memory_space<vmem>>[vector<16xi32>], vector<16xf32>,
      %parallel_loop3A_106 = arith.constant 6 : i32
      %parallel_loop3A_107 = vector.broadcast %parallel_loop3A_106 : i32 to vector<16xi32>
      %parallel_loop3A_108 = arith.addi %parallel_loop3A_81, %parallel_loop3A_107 : vector<16xi32>
      %parallel_loop3A_109 = tpu.vector_load_idx %arg9[%parallel_loop3A_108] : memref<17000xf32, #tpu.memory_space<vmem>>[vector<16xi32>], vector<16xf32>,
      %parallel_loop3A_110 = arith.constant 7 : i32
      %parallel_loop3A_111 = vector.broadcast %parallel_loop3A_110 : i32 to vector<16xi32>
      %parallel_loop3A_112 = arith.addi %parallel_loop3A_81, %parallel_loop3A_111 : vector<16xi32>
      %parallel_loop3A_113 = tpu.vector_load_idx %arg9[%parallel_loop3A_112] : memref<17000xf32, #tpu.memory_space<vmem>>[vector<16xi32>], vector<16xf32>,
      %parallel_loop3A_114 = arith.constant 8 : i32
      %parallel_loop3A_115 = vector.broadcast %parallel_loop3A_114 : i32 to vector<16xi32>
      %parallel_loop3A_116 = arith.addi %parallel_loop3A_81, %parallel_loop3A_115 : vector<16xi32>
      %parallel_loop3A_117 = tpu.vector_load_idx %arg9[%parallel_loop3A_116] : memref<17000xf32, #tpu.memory_space<vmem>>[vector<16xi32>], vector<16xf32>,
      %parallel_loop3A_118 = arith.constant 9 : i32
      %parallel_loop3A_119 = vector.broadcast %parallel_loop3A_118 : i32 to vector<16xi32>
      %parallel_loop3A_120 = arith.addi %parallel_loop3A_81, %parallel_loop3A_119 : vector<16xi32>
      %parallel_loop3A_121 = tpu.vector_load_idx %arg9[%parallel_loop3A_120] : memref<17000xf32, #tpu.memory_space<vmem>>[vector<16xi32>], vector<16xf32>,
      %parallel_loop3A_122 = arith.constant 10 : i32
      %parallel_loop3A_123 = vector.broadcast %parallel_loop3A_122 : i32 to vector<16xi32>
      %parallel_loop3A_124 = arith.addi %parallel_loop3A_81, %parallel_loop3A_123 : vector<16xi32>
      %parallel_loop3A_125 = tpu.vector_load_idx %arg9[%parallel_loop3A_124] : memref<17000xf32, #tpu.memory_space<vmem>>[vector<16xi32>], vector<16xf32>,
      %parallel_loop3A_126 = arith.constant 11 : i32
      %parallel_loop3A_127 = vector.broadcast %parallel_loop3A_126 : i32 to vector<16xi32>
      %parallel_loop3A_128 = arith.addi %parallel_loop3A_81, %parallel_loop3A_127 : vector<16xi32>
      %parallel_loop3A_129 = tpu.vector_load_idx %arg9[%parallel_loop3A_128] : memref<17000xf32, #tpu.memory_space<vmem>>[vector<16xi32>], vector<16xf32>,
      %parallel_loop3A_130 = arith.constant 12 : i32
      %parallel_loop3A_131 = vector.broadcast %parallel_loop3A_130 : i32 to vector<16xi32>
      %parallel_loop3A_132 = arith.addi %parallel_loop3A_81, %parallel_loop3A_131 : vector<16xi32>
      %parallel_loop3A_133 = tpu.vector_load_idx %arg9[%parallel_loop3A_132] : memref<17000xf32, #tpu.memory_space<vmem>>[vector<16xi32>], vector<16xf32>,
      %parallel_loop3A_134 = arith.constant 13 : i32
      %parallel_loop3A_135 = vector.broadcast %parallel_loop3A_134 : i32 to vector<16xi32>
      %parallel_loop3A_136 = arith.addi %parallel_loop3A_81, %parallel_loop3A_135 : vector<16xi32>
      %parallel_loop3A_137 = tpu.vector_load_idx %arg9[%parallel_loop3A_136] : memref<17000xf32, #tpu.memory_space<vmem>>[vector<16xi32>], vector<16xf32>,
      %parallel_loop3A_138 = arith.constant 14 : i32
      %parallel_loop3A_139 = vector.broadcast %parallel_loop3A_138 : i32 to vector<16xi32>
      %parallel_loop3A_140 = arith.addi %parallel_loop3A_81, %parallel_loop3A_139 : vector<16xi32>
      %parallel_loop3A_141 = tpu.vector_load_idx %arg9[%parallel_loop3A_140] : memref<17000xf32, #tpu.memory_space<vmem>>[vector<16xi32>], vector<16xf32>,
      %parallel_loop3A_142 = arith.constant 15 : i32
      %parallel_loop3A_143 = vector.broadcast %parallel_loop3A_142 : i32 to vector<16xi32>
      %parallel_loop3A_144 = arith.addi %parallel_loop3A_81, %parallel_loop3A_143 : vector<16xi32>
      %parallel_loop3A_145 = tpu.vector_load_idx %arg9[%parallel_loop3A_144] : memref<17000xf32, #tpu.memory_space<vmem>>[vector<16xi32>], vector<16xf32>,
      %parallel_loop3A_146 = arith.constant 16 : i32
      %parallel_loop3A_147 = arith.muli %parallel_loop3A_66, %parallel_loop3A_146 : i32
      %parallel_loop3A_148 = arith.constant 0 : i32
      %parallel_loop3A_149 = arith.index_cast %parallel_loop3A_64 : i32 to index
      %parallel_loop3A_150 = arith.index_cast %parallel_loop3A_148 : i32 to index
      %parallel_loop3A_151 = arith.index_cast %parallel_loop3A_147 : i32 to index
      %parallel_loop3A_152 = tpu.vector_load %arg7[%parallel_loop3A_149, %parallel_loop3A_150, %parallel_loop3A_151] {strides = array<i32>} : memref<4x16x512xf32, #tpu.memory_space<vmem>>, vector<16xf32>,
      tpu.vector_store %arg7[%parallel_loop3A_149, %parallel_loop3A_150, %parallel_loop3A_151], %parallel_loop3A_85 {strides = array<i32>} : memref<4x16x512xf32, #tpu.memory_space<vmem>>, vector<16xf32>,
      %parallel_loop3A_153 = arith.constant 16 : i32
      %parallel_loop3A_154 = arith.muli %parallel_loop3A_66, %parallel_loop3A_153 : i32
      %parallel_loop3A_155 = arith.constant 1 : i32
      %parallel_loop3A_156 = arith.index_cast %parallel_loop3A_64 : i32 to index
      %parallel_loop3A_157 = arith.index_cast %parallel_loop3A_155 : i32 to index
      %parallel_loop3A_158 = arith.index_cast %parallel_loop3A_154 : i32 to index
      %parallel_loop3A_159 = tpu.vector_load %arg7[%parallel_loop3A_156, %parallel_loop3A_157, %parallel_loop3A_158] {strides = array<i32>} : memref<4x16x512xf32, #tpu.memory_space<vmem>>, vector<16xf32>,
      tpu.vector_store %arg7[%parallel_loop3A_156, %parallel_loop3A_157, %parallel_loop3A_158], %parallel_loop3A_89 {strides = array<i32>} : memref<4x16x512xf32, #tpu.memory_space<vmem>>, vector<16xf32>,
      %parallel_loop3A_160 = arith.constant 16 : i32
      %parallel_loop3A_161 = arith.muli %parallel_loop3A_66, %parallel_loop3A_160 : i32
      %parallel_loop3A_162 = arith.constant 2 : i32
      %parallel_loop3A_163 = arith.index_cast %parallel_loop3A_64 : i32 to index
      %parallel_loop3A_164 = arith.index_cast %parallel_loop3A_162 : i32 to index
      %parallel_loop3A_165 = arith.index_cast %parallel_loop3A_161 : i32 to index
      %parallel_loop3A_166 = tpu.vector_load %arg7[%parallel_loop3A_163, %parallel_loop3A_164, %parallel_loop3A_165] {strides = array<i32>} : memref<4x16x512xf32, #tpu.memory_space<vmem>>, vector<16xf32>,
      tpu.vector_store %arg7[%parallel_loop3A_163, %parallel_loop3A_164, %parallel_loop3A_165], %parallel_loop3A_93 {strides = array<i32>} : memref<4x16x512xf32, #tpu.memory_space<vmem>>, vector<16xf32>,
      %parallel_loop3A_167 = arith.constant 16 : i32
      %parallel_loop3A_168 = arith.muli %parallel_loop3A_66, %parallel_loop3A_167 : i32
      %parallel_loop3A_169 = arith.constant 3 : i32
      %parallel_loop3A_170 = arith.index_cast %parallel_loop3A_64 : i32 to index
      %parallel_loop3A_171 = arith.index_cast %parallel_loop3A_169 : i32 to index
      %parallel_loop3A_172 = arith.index_cast %parallel_loop3A_168 : i32 to index
      %parallel_loop3A_173 = tpu.vector_load %arg7[%parallel_loop3A_170, %parallel_loop3A_171, %parallel_loop3A_172] {strides = array<i32>} : memref<4x16x512xf32, #tpu.memory_space<vmem>>, vector<16xf32>,
      tpu.vector_store %arg7[%parallel_loop3A_170, %parallel_loop3A_171, %parallel_loop3A_172], %parallel_loop3A_97 {strides = array<i32>} : memref<4x16x512xf32, #tpu.memory_space<vmem>>, vector<16xf32>,
      %parallel_loop3A_174 = arith.constant 16 : i32
      %parallel_loop3A_175 = arith.muli %parallel_loop3A_66, %parallel_loop3A_174 : i32
      %parallel_loop3A_176 = arith.constant 4 : i32
      %parallel_loop3A_177 = arith.index_cast %parallel_loop3A_64 : i32 to index
      %parallel_loop3A_178 = arith.index_cast %parallel_loop3A_176 : i32 to index
      %parallel_loop3A_179 = arith.index_cast %parallel_loop3A_175 : i32 to index
      %parallel_loop3A_180 = tpu.vector_load %arg7[%parallel_loop3A_177, %parallel_loop3A_178, %parallel_loop3A_179] {strides = array<i32>} : memref<4x16x512xf32, #tpu.memory_space<vmem>>, vector<16xf32>,
      tpu.vector_store %arg7[%parallel_loop3A_177, %parallel_loop3A_178, %parallel_loop3A_179], %parallel_loop3A_101 {strides = array<i32>} : memref<4x16x512xf32, #tpu.memory_space<vmem>>, vector<16xf32>,
      %parallel_loop3A_181 = arith.constant 16 : i32
      %parallel_loop3A_182 = arith.muli %parallel_loop3A_66, %parallel_loop3A_181 : i32
      %parallel_loop3A_183 = arith.constant 5 : i32
      %parallel_loop3A_184 = arith.index_cast %parallel_loop3A_64 : i32 to index
      %parallel_loop3A_185 = arith.index_cast %parallel_loop3A_183 : i32 to index
      %parallel_loop3A_186 = arith.index_cast %parallel_loop3A_182 : i32 to index
      %parallel_loop3A_187 = tpu.vector_load %arg7[%parallel_loop3A_184, %parallel_loop3A_185, %parallel_loop3A_186] {strides = array<i32>} : memref<4x16x512xf32, #tpu.memory_space<vmem>>, vector<16xf32>,
      tpu.vector_store %arg7[%parallel_loop3A_184, %parallel_loop3A_185, %parallel_loop3A_186], %parallel_loop3A_105 {strides = array<i32>} : memref<4x16x512xf32, #tpu.memory_space<vmem>>, vector<16xf32>,
      %parallel_loop3A_188 = arith.constant 16 : i32
      %parallel_loop3A_189 = arith.muli %parallel_loop3A_66, %parallel_loop3A_188 : i32
      %parallel_loop3A_190 = arith.constant 6 : i32
      %parallel_loop3A_191 = arith.index_cast %parallel_loop3A_64 : i32 to index
      %parallel_loop3A_192 = arith.index_cast %parallel_loop3A_190 : i32 to index
      %parallel_loop3A_193 = arith.index_cast %parallel_loop3A_189 : i32 to index
      %parallel_loop3A_194 = tpu.vector_load %arg7[%parallel_loop3A_191, %parallel_loop3A_192, %parallel_loop3A_193] {strides = array<i32>} : memref<4x16x512xf32, #tpu.memory_space<vmem>>, vector<16xf32>,
      tpu.vector_store %arg7[%parallel_loop3A_191, %parallel_loop3A_192, %parallel_loop3A_193], %parallel_loop3A_109 {strides = array<i32>} : memref<4x16x512xf32, #tpu.memory_space<vmem>>, vector<16xf32>,
      %parallel_loop3A_195 = arith.constant 16 : i32
      %parallel_loop3A_196 = arith.muli %parallel_loop3A_66, %parallel_loop3A_195 : i32
      %parallel_loop3A_197 = arith.constant 7 : i32
      %parallel_loop3A_198 = arith.index_cast %parallel_loop3A_64 : i32 to index
      %parallel_loop3A_199 = arith.index_cast %parallel_loop3A_197 : i32 to index
      %parallel_loop3A_200 = arith.index_cast %parallel_loop3A_196 : i32 to index
      %parallel_loop3A_201 = tpu.vector_load %arg7[%parallel_loop3A_198, %parallel_loop3A_199, %parallel_loop3A_200] {strides = array<i32>} : memref<4x16x512xf32, #tpu.memory_space<vmem>>, vector<16xf32>,
      tpu.vector_store %arg7[%parallel_loop3A_198, %parallel_loop3A_199, %parallel_loop3A_200], %parallel_loop3A_113 {strides = array<i32>} : memref<4x16x512xf32, #tpu.memory_space<vmem>>, vector<16xf32>,
      %parallel_loop3A_202 = arith.constant 16 : i32
      %parallel_loop3A_203 = arith.muli %parallel_loop3A_66, %parallel_loop3A_202 : i32
      %parallel_loop3A_204 = arith.constant 8 : i32
      %parallel_loop3A_205 = arith.index_cast %parallel_loop3A_64 : i32 to index
      %parallel_loop3A_206 = arith.index_cast %parallel_loop3A_204 : i32 to index
      %parallel_loop3A_207 = arith.index_cast %parallel_loop3A_203 : i32 to index
      %parallel_loop3A_208 = tpu.vector_load %arg7[%parallel_loop3A_205, %parallel_loop3A_206, %parallel_loop3A_207] {strides = array<i32>} : memref<4x16x512xf32, #tpu.memory_space<vmem>>, vector<16xf32>,
      tpu.vector_store %arg7[%parallel_loop3A_205, %parallel_loop3A_206, %parallel_loop3A_207], %parallel_loop3A_117 {strides = array<i32>} : memref<4x16x512xf32, #tpu.memory_space<vmem>>, vector<16xf32>,
      %parallel_loop3A_209 = arith.constant 16 : i32
      %parallel_loop3A_210 = arith.muli %parallel_loop3A_66, %parallel_loop3A_209 : i32
      %parallel_loop3A_211 = arith.constant 9 : i32
      %parallel_loop3A_212 = arith.index_cast %parallel_loop3A_64 : i32 to index
      %parallel_loop3A_213 = arith.index_cast %parallel_loop3A_211 : i32 to index
      %parallel_loop3A_214 = arith.index_cast %parallel_loop3A_210 : i32 to index
      %parallel_loop3A_215 = tpu.vector_load %arg7[%parallel_loop3A_212, %parallel_loop3A_213, %parallel_loop3A_214] {strides = array<i32>} : memref<4x16x512xf32, #tpu.memory_space<vmem>>, vector<16xf32>,
      tpu.vector_store %arg7[%parallel_loop3A_212, %parallel_loop3A_213, %parallel_loop3A_214], %parallel_loop3A_121 {strides = array<i32>} : memref<4x16x512xf32, #tpu.memory_space<vmem>>, vector<16xf32>,
      %parallel_loop3A_216 = arith.constant 16 : i32
      %parallel_loop3A_217 = arith.muli %parallel_loop3A_66, %parallel_loop3A_216 : i32
      %parallel_loop3A_218 = arith.constant 10 : i32
      %parallel_loop3A_219 = arith.index_cast %parallel_loop3A_64 : i32 to index
      %parallel_loop3A_220 = arith.index_cast %parallel_loop3A_218 : i32 to index
      %parallel_loop3A_221 = arith.index_cast %parallel_loop3A_217 : i32 to index
      %parallel_loop3A_222 = tpu.vector_load %arg7[%parallel_loop3A_219, %parallel_loop3A_220, %parallel_loop3A_221] {strides = array<i32>} : memref<4x16x512xf32, #tpu.memory_space<vmem>>, vector<16xf32>,
      tpu.vector_store %arg7[%parallel_loop3A_219, %parallel_loop3A_220, %parallel_loop3A_221], %parallel_loop3A_125 {strides = array<i32>} : memref<4x16x512xf32, #tpu.memory_space<vmem>>, vector<16xf32>,
      %parallel_loop3A_223 = arith.constant 16 : i32
      %parallel_loop3A_224 = arith.muli %parallel_loop3A_66, %parallel_loop3A_223 : i32
      %parallel_loop3A_225 = arith.constant 11 : i32
      %parallel_loop3A_226 = arith.index_cast %parallel_loop3A_64 : i32 to index
      %parallel_loop3A_227 = arith.index_cast %parallel_loop3A_225 : i32 to index
      %parallel_loop3A_228 = arith.index_cast %parallel_loop3A_224 : i32 to index
      %parallel_loop3A_229 = tpu.vector_load %arg7[%parallel_loop3A_226, %parallel_loop3A_227, %parallel_loop3A_228] {strides = array<i32>} : memref<4x16x512xf32, #tpu.memory_space<vmem>>, vector<16xf32>,
      tpu.vector_store %arg7[%parallel_loop3A_226, %parallel_loop3A_227, %parallel_loop3A_228], %parallel_loop3A_129 {strides = array<i32>} : memref<4x16x512xf32, #tpu.memory_space<vmem>>, vector<16xf32>,
      %parallel_loop3A_230 = arith.constant 16 : i32
      %parallel_loop3A_231 = arith.muli %parallel_loop3A_66, %parallel_loop3A_230 : i32
      %parallel_loop3A_232 = arith.constant 12 : i32
      %parallel_loop3A_233 = arith.index_cast %parallel_loop3A_64 : i32 to index
      %parallel_loop3A_234 = arith.index_cast %parallel_loop3A_232 : i32 to index
      %parallel_loop3A_235 = arith.index_cast %parallel_loop3A_231 : i32 to index
      %parallel_loop3A_236 = tpu.vector_load %arg7[%parallel_loop3A_233, %parallel_loop3A_234, %parallel_loop3A_235] {strides = array<i32>} : memref<4x16x512xf32, #tpu.memory_space<vmem>>, vector<16xf32>,
      tpu.vector_store %arg7[%parallel_loop3A_233, %parallel_loop3A_234, %parallel_loop3A_235], %parallel_loop3A_133 {strides = array<i32>} : memref<4x16x512xf32, #tpu.memory_space<vmem>>, vector<16xf32>,
      %parallel_loop3A_237 = arith.constant 16 : i32
      %parallel_loop3A_238 = arith.muli %parallel_loop3A_66, %parallel_loop3A_237 : i32
      %parallel_loop3A_239 = arith.constant 13 : i32
      %parallel_loop3A_240 = arith.index_cast %parallel_loop3A_64 : i32 to index
      %parallel_loop3A_241 = arith.index_cast %parallel_loop3A_239 : i32 to index
      %parallel_loop3A_242 = arith.index_cast %parallel_loop3A_238 : i32 to index
      %parallel_loop3A_243 = tpu.vector_load %arg7[%parallel_loop3A_240, %parallel_loop3A_241, %parallel_loop3A_242] {strides = array<i32>} : memref<4x16x512xf32, #tpu.memory_space<vmem>>, vector<16xf32>,
      tpu.vector_store %arg7[%parallel_loop3A_240, %parallel_loop3A_241, %parallel_loop3A_242], %parallel_loop3A_137 {strides = array<i32>} : memref<4x16x512xf32, #tpu.memory_space<vmem>>, vector<16xf32>,
      %parallel_loop3A_244 = arith.constant 16 : i32
      %parallel_loop3A_245 = arith.muli %parallel_loop3A_66, %parallel_loop3A_244 : i32
      %parallel_loop3A_246 = arith.constant 14 : i32
      %parallel_loop3A_247 = arith.index_cast %parallel_loop3A_64 : i32 to index
      %parallel_loop3A_248 = arith.index_cast %parallel_loop3A_246 : i32 to index
      %parallel_loop3A_249 = arith.index_cast %parallel_loop3A_245 : i32 to index
      %parallel_loop3A_250 = tpu.vector_load %arg7[%parallel_loop3A_247, %parallel_loop3A_248, %parallel_loop3A_249] {strides = array<i32>} : memref<4x16x512xf32, #tpu.memory_space<vmem>>, vector<16xf32>,
      tpu.vector_store %arg7[%parallel_loop3A_247, %parallel_loop3A_248, %parallel_loop3A_249], %parallel_loop3A_141 {strides = array<i32>} : memref<4x16x512xf32, #tpu.memory_space<vmem>>, vector<16xf32>,
      %parallel_loop3A_251 = arith.constant 16 : i32
      %parallel_loop3A_252 = arith.muli %parallel_loop3A_66, %parallel_loop3A_251 : i32
      %parallel_loop3A_253 = arith.constant 15 : i32
      %parallel_loop3A_254 = arith.index_cast %parallel_loop3A_64 : i32 to index
      %parallel_loop3A_255 = arith.index_cast %parallel_loop3A_253 : i32 to index
      %parallel_loop3A_256 = arith.index_cast %parallel_loop3A_252 : i32 to index
      %parallel_loop3A_257 = tpu.vector_load %arg7[%parallel_loop3A_254, %parallel_loop3A_255, %parallel_loop3A_256] {strides = array<i32>} : memref<4x16x512xf32, #tpu.memory_space<vmem>>, vector<16xf32>,
      tpu.vector_store %arg7[%parallel_loop3A_254, %parallel_loop3A_255, %parallel_loop3A_256], %parallel_loop3A_145 {strides = array<i32>} : memref<4x16x512xf32, #tpu.memory_space<vmem>>, vector<16xf32>,
    } {sc.loop_unroll_factor = 2 : i64, sc.parallel_access}
    %dma_start3A_18 = arith.constant 0 : i32
    %dma_start3A_19 = arith.constant 0 : i32
    %dma_start3A_20 = tpu.memref_slice %arg4[%dma_start3A_18, %dma_start3A_19, %mul3A_4] : memref<200x16x16384xf32, #tpu.memory_space<hbm>> -> memref<4x16x512xf32, #tpu.memory_space<hbm>>
    %dma_start3A_21 = arith.constant 0 : i32
    %dma_start3A_22 = arith.constant 0 : i32
    %dma_start3A_23 = tpu.memref_slice %arg4[%dma_start3A_21, %dma_start3A_22, %mul3A_4] : memref<200x16x16384xf32, #tpu.memory_space<hbm>> -> memref<4x16x512xf32, #tpu.memory_space<hbm>>
    tpu.enqueue_dma source(%arg7 : memref<4x16x512xf32, #tpu.memory_space<vmem>>) target(%dma_start3A_23 : memref<4x16x512xf32, #tpu.memory_space<hbm>>) target_semaphore(%arg12 : memref<!tpu.dma_semaphore, #tpu.memory_space<semaphore_mem>>)
    %dma_start3A_24 = arith.constant 8 : i32
    %dma_start3A_25 = tpu.memref_slice %arg2[%dma_start3A_24, %mul3A_4] : memref<200x16384xf32, #tpu.memory_space<hbm>> -> memref<4x512xf32, #tpu.memory_space<hbm>>
    %dma_start3A_26 = arith.constant 8 : i32
    %dma_start3A_27 = tpu.memref_slice %arg2[%dma_start3A_26, %mul3A_4] : memref<200x16384xf32, #tpu.memory_space<hbm>> -> memref<4x512xf32, #tpu.memory_space<hbm>>
    tpu.enqueue_dma source(%dma_start3A_27 : memref<4x512xf32, #tpu.memory_space<hbm>>) target(%arg5 : memref<4x512xf32, #tpu.memory_space<vmem>>) target_semaphore(%arg11 : memref<!tpu.dma_semaphore, #tpu.memory_space<semaphore_mem>>)
    %dma_wait3A_28 = arith.constant 0 : i32
    %dma_wait3A_29 = tpu.memref_slice %arg2[%dma_wait3A_28, %mul3A_4] : memref<200x16384xf32, #tpu.memory_space<hbm>> -> memref<4x512xf32, #tpu.memory_space<hbm>>
    %dma_wait3A_30 = arith.constant 0 : i32
    %dma_wait3A_31 = tpu.memref_slice %arg2[%dma_wait3A_30, %mul3A_4] : memref<200x16384xf32, #tpu.memory_space<hbm>> -> memref<4x512xf32, #tpu.memory_space<hbm>>
    tpu.wait_dma2 semaphore(%arg11 : memref<!tpu.dma_semaphore, #tpu.memory_space<semaphore_mem>>) src(%dma_wait3A_31 : memref<4x512xf32, #tpu.memory_space<hbm>>) dst(%arg6 : memref<4x512xf32, #tpu.memory_space<vmem>>)
    %parallel_loop3A_32 = arith.constant 0 : i32
    %parallel_loop3A_33 = arith.constant 128 : i32
    %parallel_loop3A_34 = arith.constant 1 : i32
    scf.for %parallel_loop3A_62 = %parallel_loop3A_32 to %parallel_loop3A_33 step %parallel_loop3A_34  : i32 {
      %parallel_loop3A_63 = arith.constant 5 : i32
      %parallel_loop3A_64 = arith.shrui %parallel_loop3A_62, %parallel_loop3A_63 : i32
      %parallel_loop3A_65 = arith.constant 31 : i32
      %parallel_loop3A_66 = arith.andi %parallel_loop3A_62, %parallel_loop3A_65 : i32
      %parallel_loop3A_67 = arith.constant 16 : i32
      %parallel_loop3A_68 = arith.muli %parallel_loop3A_66, %parallel_loop3A_67 : i32
      %parallel_loop3A_69 = arith.index_cast %parallel_loop3A_64 : i32 to index
      %parallel_loop3A_70 = arith.index_cast %parallel_loop3A_68 : i32 to index
      %parallel_loop3A_71 = tpu.vector_load %arg6[%parallel_loop3A_69, %parallel_loop3A_70] {strides = array<i32>} : memref<4x512xf32, #tpu.memory_space<vmem>>, vector<16xf32>,
      %parallel_loop3A_72 = arith.constant 0.000000e+00 : f32
      %parallel_loop3A_73 = vector.broadcast %parallel_loop3A_72 : f32 to vector<16xf32>
      %parallel_loop3A_74 = arith.subf %parallel_loop3A_71, %parallel_loop3A_73 : vector<16xf32>
      %parallel_loop3A_75 = arith.constant 1.000000e-03 : f32
      %parallel_loop3A_76 = vector.broadcast %parallel_loop3A_75 : f32 to vector<16xf32>
      %parallel_loop3A_77 = arith.divf %parallel_loop3A_74, %parallel_loop3A_76 : vector<16xf32>
      %parallel_loop3A_78 = arith.fptosi %parallel_loop3A_77 : vector<16xf32> to vector<16xi32>
      %parallel_loop3A_79 = arith.constant 17 : i32
      %parallel_loop3A_80 = vector.broadcast %parallel_loop3A_79 : i32 to vector<16xi32>
      %parallel_loop3A_81 = arith.muli %parallel_loop3A_78, %parallel_loop3A_80 : vector<16xi32>
      %parallel_loop3A_82 = arith.constant 0 : i32
      %parallel_loop3A_83 = vector.broadcast %parallel_loop3A_82 : i32 to vector<16xi32>
      %parallel_loop3A_84 = arith.addi %parallel_loop3A_81, %parallel_loop3A_83 : vector<16xi32>
      %parallel_loop3A_85 = tpu.vector_load_idx %arg9[%parallel_loop3A_84] : memref<17000xf32, #tpu.memory_space<vmem>>[vector<16xi32>], vector<16xf32>,
      %parallel_loop3A_86 = arith.constant 1 : i32
      %parallel_loop3A_87 = vector.broadcast %parallel_loop3A_86 : i32 to vector<16xi32>
      %parallel_loop3A_88 = arith.addi %parallel_loop3A_81, %parallel_loop3A_87 : vector<16xi32>
      %parallel_loop3A_89 = tpu.vector_load_idx %arg9[%parallel_loop3A_88] : memref<17000xf32, #tpu.memory_space<vmem>>[vector<16xi32>], vector<16xf32>,
      %parallel_loop3A_90 = arith.constant 2 : i32
      %parallel_loop3A_91 = vector.broadcast %parallel_loop3A_90 : i32 to vector<16xi32>
      %parallel_loop3A_92 = arith.addi %parallel_loop3A_81, %parallel_loop3A_91 : vector<16xi32>
      %parallel_loop3A_93 = tpu.vector_load_idx %arg9[%parallel_loop3A_92] : memref<17000xf32, #tpu.memory_space<vmem>>[vector<16xi32>], vector<16xf32>,
      %parallel_loop3A_94 = arith.constant 3 : i32
      %parallel_loop3A_95 = vector.broadcast %parallel_loop3A_94 : i32 to vector<16xi32>
      %parallel_loop3A_96 = arith.addi %parallel_loop3A_81, %parallel_loop3A_95 : vector<16xi32>
      %parallel_loop3A_97 = tpu.vector_load_idx %arg9[%parallel_loop3A_96] : memref<17000xf32, #tpu.memory_space<vmem>>[vector<16xi32>], vector<16xf32>,
      %parallel_loop3A_98 = arith.constant 4 : i32
      %parallel_loop3A_99 = vector.broadcast %parallel_loop3A_98 : i32 to vector<16xi32>
      %parallel_loop3A_100 = arith.addi %parallel_loop3A_81, %parallel_loop3A_99 : vector<16xi32>
      %parallel_loop3A_101 = tpu.vector_load_idx %arg9[%parallel_loop3A_100] : memref<17000xf32, #tpu.memory_space<vmem>>[vector<16xi32>], vector<16xf32>,
      %parallel_loop3A_102 = arith.constant 5 : i32
      %parallel_loop3A_103 = vector.broadcast %parallel_loop3A_102 : i32 to vector<16xi32>
      %parallel_loop3A_104 = arith.addi %parallel_loop3A_81, %parallel_loop3A_103 : vector<16xi32>
      %parallel_loop3A_105 = tpu.vector_load_idx %arg9[%parallel_loop3A_104] : memref<17000xf32, #tpu.memory_space<vmem>>[vector<16xi32>], vector<16xf32>,
      %parallel_loop3A_106 = arith.constant 6 : i32
      %parallel_loop3A_107 = vector.broadcast %parallel_loop3A_106 : i32 to vector<16xi32>
      %parallel_loop3A_108 = arith.addi %parallel_loop3A_81, %parallel_loop3A_107 : vector<16xi32>
      %parallel_loop3A_109 = tpu.vector_load_idx %arg9[%parallel_loop3A_108] : memref<17000xf32, #tpu.memory_space<vmem>>[vector<16xi32>], vector<16xf32>,
      %parallel_loop3A_110 = arith.constant 7 : i32
      %parallel_loop3A_111 = vector.broadcast %parallel_loop3A_110 : i32 to vector<16xi32>
      %parallel_loop3A_112 = arith.addi %parallel_loop3A_81, %parallel_loop3A_111 : vector<16xi32>
      %parallel_loop3A_113 = tpu.vector_load_idx %arg9[%parallel_loop3A_112] : memref<17000xf32, #tpu.memory_space<vmem>>[vector<16xi32>], vector<16xf32>,
      %parallel_loop3A_114 = arith.constant 8 : i32
      %parallel_loop3A_115 = vector.broadcast %parallel_loop3A_114 : i32 to vector<16xi32>
      %parallel_loop3A_116 = arith.addi %parallel_loop3A_81, %parallel_loop3A_115 : vector<16xi32>
      %parallel_loop3A_117 = tpu.vector_load_idx %arg9[%parallel_loop3A_116] : memref<17000xf32, #tpu.memory_space<vmem>>[vector<16xi32>], vector<16xf32>,
      %parallel_loop3A_118 = arith.constant 9 : i32
      %parallel_loop3A_119 = vector.broadcast %parallel_loop3A_118 : i32 to vector<16xi32>
      %parallel_loop3A_120 = arith.addi %parallel_loop3A_81, %parallel_loop3A_119 : vector<16xi32>
      %parallel_loop3A_121 = tpu.vector_load_idx %arg9[%parallel_loop3A_120] : memref<17000xf32, #tpu.memory_space<vmem>>[vector<16xi32>], vector<16xf32>,
      %parallel_loop3A_122 = arith.constant 10 : i32
      %parallel_loop3A_123 = vector.broadcast %parallel_loop3A_122 : i32 to vector<16xi32>
      %parallel_loop3A_124 = arith.addi %parallel_loop3A_81, %parallel_loop3A_123 : vector<16xi32>
      %parallel_loop3A_125 = tpu.vector_load_idx %arg9[%parallel_loop3A_124] : memref<17000xf32, #tpu.memory_space<vmem>>[vector<16xi32>], vector<16xf32>,
      %parallel_loop3A_126 = arith.constant 11 : i32
      %parallel_loop3A_127 = vector.broadcast %parallel_loop3A_126 : i32 to vector<16xi32>
      %parallel_loop3A_128 = arith.addi %parallel_loop3A_81, %parallel_loop3A_127 : vector<16xi32>
      %parallel_loop3A_129 = tpu.vector_load_idx %arg9[%parallel_loop3A_128] : memref<17000xf32, #tpu.memory_space<vmem>>[vector<16xi32>], vector<16xf32>,
      %parallel_loop3A_130 = arith.constant 12 : i32
      %parallel_loop3A_131 = vector.broadcast %parallel_loop3A_130 : i32 to vector<16xi32>
      %parallel_loop3A_132 = arith.addi %parallel_loop3A_81, %parallel_loop3A_131 : vector<16xi32>
      %parallel_loop3A_133 = tpu.vector_load_idx %arg9[%parallel_loop3A_132] : memref<17000xf32, #tpu.memory_space<vmem>>[vector<16xi32>], vector<16xf32>,
      %parallel_loop3A_134 = arith.constant 13 : i32
      %parallel_loop3A_135 = vector.broadcast %parallel_loop3A_134 : i32 to vector<16xi32>
      %parallel_loop3A_136 = arith.addi %parallel_loop3A_81, %parallel_loop3A_135 : vector<16xi32>
      %parallel_loop3A_137 = tpu.vector_load_idx %arg9[%parallel_loop3A_136] : memref<17000xf32, #tpu.memory_space<vmem>>[vector<16xi32>], vector<16xf32>,
      %parallel_loop3A_138 = arith.constant 14 : i32
      %parallel_loop3A_139 = vector.broadcast %parallel_loop3A_138 : i32 to vector<16xi32>
      %parallel_loop3A_140 = arith.addi %parallel_loop3A_81, %parallel_loop3A_139 : vector<16xi32>
      %parallel_loop3A_141 = tpu.vector_load_idx %arg9[%parallel_loop3A_140] : memref<17000xf32, #tpu.memory_space<vmem>>[vector<16xi32>], vector<16xf32>,
      %parallel_loop3A_142 = arith.constant 15 : i32
      %parallel_loop3A_143 = vector.broadcast %parallel_loop3A_142 : i32 to vector<16xi32>
      %parallel_loop3A_144 = arith.addi %parallel_loop3A_81, %parallel_loop3A_143 : vector<16xi32>
      %parallel_loop3A_145 = tpu.vector_load_idx %arg9[%parallel_loop3A_144] : memref<17000xf32, #tpu.memory_space<vmem>>[vector<16xi32>], vector<16xf32>,
      %parallel_loop3A_146 = arith.constant 16 : i32
      %parallel_loop3A_147 = arith.muli %parallel_loop3A_66, %parallel_loop3A_146 : i32
      %parallel_loop3A_148 = arith.constant 0 : i32
      %parallel_loop3A_149 = arith.index_cast %parallel_loop3A_64 : i32 to index
      %parallel_loop3A_150 = arith.index_cast %parallel_loop3A_148 : i32 to index
      %parallel_loop3A_151 = arith.index_cast %parallel_loop3A_147 : i32 to index
      %parallel_loop3A_152 = tpu.vector_load %arg8[%parallel_loop3A_149, %parallel_loop3A_150, %parallel_loop3A_151] {strides = array<i32>} : memref<4x16x512xf32, #tpu.memory_space<vmem>>, vector<16xf32>,
      tpu.vector_store %arg8[%parallel_loop3A_149, %parallel_loop3A_150, %parallel_loop3A_151], %parallel_loop3A_85 {strides = array<i32>} : memref<4x16x512xf32, #tpu.memory_space<vmem>>, vector<16xf32>,
      %parallel_loop3A_153 = arith.constant 16 : i32
      %parallel_loop3A_154 = arith.muli %parallel_loop3A_66, %parallel_loop3A_153 : i32
      %parallel_loop3A_155 = arith.constant 1 : i32
      %parallel_loop3A_156 = arith.index_cast %parallel_loop3A_64 : i32 to index
      %parallel_loop3A_157 = arith.index_cast %parallel_loop3A_155 : i32 to index
      %parallel_loop3A_158 = arith.index_cast %parallel_loop3A_154 : i32 to index
      %parallel_loop3A_159 = tpu.vector_load %arg8[%parallel_loop3A_156, %parallel_loop3A_157, %parallel_loop3A_158] {strides = array<i32>} : memref<4x16x512xf32, #tpu.memory_space<vmem>>, vector<16xf32>,
      tpu.vector_store %arg8[%parallel_loop3A_156, %parallel_loop3A_157, %parallel_loop3A_158], %parallel_loop3A_89 {strides = array<i32>} : memref<4x16x512xf32, #tpu.memory_space<vmem>>, vector<16xf32>,
      %parallel_loop3A_160 = arith.constant 16 : i32
      %parallel_loop3A_161 = arith.muli %parallel_loop3A_66, %parallel_loop3A_160 : i32
      %parallel_loop3A_162 = arith.constant 2 : i32
      %parallel_loop3A_163 = arith.index_cast %parallel_loop3A_64 : i32 to index
      %parallel_loop3A_164 = arith.index_cast %parallel_loop3A_162 : i32 to index
      %parallel_loop3A_165 = arith.index_cast %parallel_loop3A_161 : i32 to index
      %parallel_loop3A_166 = tpu.vector_load %arg8[%parallel_loop3A_163, %parallel_loop3A_164, %parallel_loop3A_165] {strides = array<i32>} : memref<4x16x512xf32, #tpu.memory_space<vmem>>, vector<16xf32>,
      tpu.vector_store %arg8[%parallel_loop3A_163, %parallel_loop3A_164, %parallel_loop3A_165], %parallel_loop3A_93 {strides = array<i32>} : memref<4x16x512xf32, #tpu.memory_space<vmem>>, vector<16xf32>,
      %parallel_loop3A_167 = arith.constant 16 : i32
      %parallel_loop3A_168 = arith.muli %parallel_loop3A_66, %parallel_loop3A_167 : i32
      %parallel_loop3A_169 = arith.constant 3 : i32
      %parallel_loop3A_170 = arith.index_cast %parallel_loop3A_64 : i32 to index
      %parallel_loop3A_171 = arith.index_cast %parallel_loop3A_169 : i32 to index
      %parallel_loop3A_172 = arith.index_cast %parallel_loop3A_168 : i32 to index
      %parallel_loop3A_173 = tpu.vector_load %arg8[%parallel_loop3A_170, %parallel_loop3A_171, %parallel_loop3A_172] {strides = array<i32>} : memref<4x16x512xf32, #tpu.memory_space<vmem>>, vector<16xf32>,
      tpu.vector_store %arg8[%parallel_loop3A_170, %parallel_loop3A_171, %parallel_loop3A_172], %parallel_loop3A_97 {strides = array<i32>} : memref<4x16x512xf32, #tpu.memory_space<vmem>>, vector<16xf32>,
      %parallel_loop3A_174 = arith.constant 16 : i32
      %parallel_loop3A_175 = arith.muli %parallel_loop3A_66, %parallel_loop3A_174 : i32
      %parallel_loop3A_176 = arith.constant 4 : i32
      %parallel_loop3A_177 = arith.index_cast %parallel_loop3A_64 : i32 to index
      %parallel_loop3A_178 = arith.index_cast %parallel_loop3A_176 : i32 to index
      %parallel_loop3A_179 = arith.index_cast %parallel_loop3A_175 : i32 to index
      %parallel_loop3A_180 = tpu.vector_load %arg8[%parallel_loop3A_177, %parallel_loop3A_178, %parallel_loop3A_179] {strides = array<i32>} : memref<4x16x512xf32, #tpu.memory_space<vmem>>, vector<16xf32>,
      tpu.vector_store %arg8[%parallel_loop3A_177, %parallel_loop3A_178, %parallel_loop3A_179], %parallel_loop3A_101 {strides = array<i32>} : memref<4x16x512xf32, #tpu.memory_space<vmem>>, vector<16xf32>,
      %parallel_loop3A_181 = arith.constant 16 : i32
      %parallel_loop3A_182 = arith.muli %parallel_loop3A_66, %parallel_loop3A_181 : i32
      %parallel_loop3A_183 = arith.constant 5 : i32
      %parallel_loop3A_184 = arith.index_cast %parallel_loop3A_64 : i32 to index
      %parallel_loop3A_185 = arith.index_cast %parallel_loop3A_183 : i32 to index
      %parallel_loop3A_186 = arith.index_cast %parallel_loop3A_182 : i32 to index
      %parallel_loop3A_187 = tpu.vector_load %arg8[%parallel_loop3A_184, %parallel_loop3A_185, %parallel_loop3A_186] {strides = array<i32>} : memref<4x16x512xf32, #tpu.memory_space<vmem>>, vector<16xf32>,
      tpu.vector_store %arg8[%parallel_loop3A_184, %parallel_loop3A_185, %parallel_loop3A_186], %parallel_loop3A_105 {strides = array<i32>} : memref<4x16x512xf32, #tpu.memory_space<vmem>>, vector<16xf32>,
      %parallel_loop3A_188 = arith.constant 16 : i32
      %parallel_loop3A_189 = arith.muli %parallel_loop3A_66, %parallel_loop3A_188 : i32
      %parallel_loop3A_190 = arith.constant 6 : i32
      %parallel_loop3A_191 = arith.index_cast %parallel_loop3A_64 : i32 to index
      %parallel_loop3A_192 = arith.index_cast %parallel_loop3A_190 : i32 to index
      %parallel_loop3A_193 = arith.index_cast %parallel_loop3A_189 : i32 to index
      %parallel_loop3A_194 = tpu.vector_load %arg8[%parallel_loop3A_191, %parallel_loop3A_192, %parallel_loop3A_193] {strides = array<i32>} : memref<4x16x512xf32, #tpu.memory_space<vmem>>, vector<16xf32>,
      tpu.vector_store %arg8[%parallel_loop3A_191, %parallel_loop3A_192, %parallel_loop3A_193], %parallel_loop3A_109 {strides = array<i32>} : memref<4x16x512xf32, #tpu.memory_space<vmem>>, vector<16xf32>,
      %parallel_loop3A_195 = arith.constant 16 : i32
      %parallel_loop3A_196 = arith.muli %parallel_loop3A_66, %parallel_loop3A_195 : i32
      %parallel_loop3A_197 = arith.constant 7 : i32
      %parallel_loop3A_198 = arith.index_cast %parallel_loop3A_64 : i32 to index
      %parallel_loop3A_199 = arith.index_cast %parallel_loop3A_197 : i32 to index
      %parallel_loop3A_200 = arith.index_cast %parallel_loop3A_196 : i32 to index
      %parallel_loop3A_201 = tpu.vector_load %arg8[%parallel_loop3A_198, %parallel_loop3A_199, %parallel_loop3A_200] {strides = array<i32>} : memref<4x16x512xf32, #tpu.memory_space<vmem>>, vector<16xf32>,
      tpu.vector_store %arg8[%parallel_loop3A_198, %parallel_loop3A_199, %parallel_loop3A_200], %parallel_loop3A_113 {strides = array<i32>} : memref<4x16x512xf32, #tpu.memory_space<vmem>>, vector<16xf32>,
      %parallel_loop3A_202 = arith.constant 16 : i32
      %parallel_loop3A_203 = arith.muli %parallel_loop3A_66, %parallel_loop3A_202 : i32
      %parallel_loop3A_204 = arith.constant 8 : i32
      %parallel_loop3A_205 = arith.index_cast %parallel_loop3A_64 : i32 to index
      %parallel_loop3A_206 = arith.index_cast %parallel_loop3A_204 : i32 to index
      %parallel_loop3A_207 = arith.index_cast %parallel_loop3A_203 : i32 to index
      %parallel_loop3A_208 = tpu.vector_load %arg8[%parallel_loop3A_205, %parallel_loop3A_206, %parallel_loop3A_207] {strides = array<i32>} : memref<4x16x512xf32, #tpu.memory_space<vmem>>, vector<16xf32>,
      tpu.vector_store %arg8[%parallel_loop3A_205, %parallel_loop3A_206, %parallel_loop3A_207], %parallel_loop3A_117 {strides = array<i32>} : memref<4x16x512xf32, #tpu.memory_space<vmem>>, vector<16xf32>,
      %parallel_loop3A_209 = arith.constant 16 : i32
      %parallel_loop3A_210 = arith.muli %parallel_loop3A_66, %parallel_loop3A_209 : i32
      %parallel_loop3A_211 = arith.constant 9 : i32
      %parallel_loop3A_212 = arith.index_cast %parallel_loop3A_64 : i32 to index
      %parallel_loop3A_213 = arith.index_cast %parallel_loop3A_211 : i32 to index
      %parallel_loop3A_214 = arith.index_cast %parallel_loop3A_210 : i32 to index
      %parallel_loop3A_215 = tpu.vector_load %arg8[%parallel_loop3A_212, %parallel_loop3A_213, %parallel_loop3A_214] {strides = array<i32>} : memref<4x16x512xf32, #tpu.memory_space<vmem>>, vector<16xf32>,
      tpu.vector_store %arg8[%parallel_loop3A_212, %parallel_loop3A_213, %parallel_loop3A_214], %parallel_loop3A_121 {strides = array<i32>} : memref<4x16x512xf32, #tpu.memory_space<vmem>>, vector<16xf32>,
      %parallel_loop3A_216 = arith.constant 16 : i32
      %parallel_loop3A_217 = arith.muli %parallel_loop3A_66, %parallel_loop3A_216 : i32
      %parallel_loop3A_218 = arith.constant 10 : i32
      %parallel_loop3A_219 = arith.index_cast %parallel_loop3A_64 : i32 to index
      %parallel_loop3A_220 = arith.index_cast %parallel_loop3A_218 : i32 to index
      %parallel_loop3A_221 = arith.index_cast %parallel_loop3A_217 : i32 to index
      %parallel_loop3A_222 = tpu.vector_load %arg8[%parallel_loop3A_219, %parallel_loop3A_220, %parallel_loop3A_221] {strides = array<i32>} : memref<4x16x512xf32, #tpu.memory_space<vmem>>, vector<16xf32>,
      tpu.vector_store %arg8[%parallel_loop3A_219, %parallel_loop3A_220, %parallel_loop3A_221], %parallel_loop3A_125 {strides = array<i32>} : memref<4x16x512xf32, #tpu.memory_space<vmem>>, vector<16xf32>,
      %parallel_loop3A_223 = arith.constant 16 : i32
      %parallel_loop3A_224 = arith.muli %parallel_loop3A_66, %parallel_loop3A_223 : i32
      %parallel_loop3A_225 = arith.constant 11 : i32
      %parallel_loop3A_226 = arith.index_cast %parallel_loop3A_64 : i32 to index
      %parallel_loop3A_227 = arith.index_cast %parallel_loop3A_225 : i32 to index
      %parallel_loop3A_228 = arith.index_cast %parallel_loop3A_224 : i32 to index
      %parallel_loop3A_229 = tpu.vector_load %arg8[%parallel_loop3A_226, %parallel_loop3A_227, %parallel_loop3A_228] {strides = array<i32>} : memref<4x16x512xf32, #tpu.memory_space<vmem>>, vector<16xf32>,
      tpu.vector_store %arg8[%parallel_loop3A_226, %parallel_loop3A_227, %parallel_loop3A_228], %parallel_loop3A_129 {strides = array<i32>} : memref<4x16x512xf32, #tpu.memory_space<vmem>>, vector<16xf32>,
      %parallel_loop3A_230 = arith.constant 16 : i32
      %parallel_loop3A_231 = arith.muli %parallel_loop3A_66, %parallel_loop3A_230 : i32
      %parallel_loop3A_232 = arith.constant 12 : i32
      %parallel_loop3A_233 = arith.index_cast %parallel_loop3A_64 : i32 to index
      %parallel_loop3A_234 = arith.index_cast %parallel_loop3A_232 : i32 to index
      %parallel_loop3A_235 = arith.index_cast %parallel_loop3A_231 : i32 to index
      %parallel_loop3A_236 = tpu.vector_load %arg8[%parallel_loop3A_233, %parallel_loop3A_234, %parallel_loop3A_235] {strides = array<i32>} : memref<4x16x512xf32, #tpu.memory_space<vmem>>, vector<16xf32>,
      tpu.vector_store %arg8[%parallel_loop3A_233, %parallel_loop3A_234, %parallel_loop3A_235], %parallel_loop3A_133 {strides = array<i32>} : memref<4x16x512xf32, #tpu.memory_space<vmem>>, vector<16xf32>,
      %parallel_loop3A_237 = arith.constant 16 : i32
      %parallel_loop3A_238 = arith.muli %parallel_loop3A_66, %parallel_loop3A_237 : i32
      %parallel_loop3A_239 = arith.constant 13 : i32
      %parallel_loop3A_240 = arith.index_cast %parallel_loop3A_64 : i32 to index
      %parallel_loop3A_241 = arith.index_cast %parallel_loop3A_239 : i32 to index
      %parallel_loop3A_242 = arith.index_cast %parallel_loop3A_238 : i32 to index
      %parallel_loop3A_243 = tpu.vector_load %arg8[%parallel_loop3A_240, %parallel_loop3A_241, %parallel_loop3A_242] {strides = array<i32>} : memref<4x16x512xf32, #tpu.memory_space<vmem>>, vector<16xf32>,
      tpu.vector_store %arg8[%parallel_loop3A_240, %parallel_loop3A_241, %parallel_loop3A_242], %parallel_loop3A_137 {strides = array<i32>} : memref<4x16x512xf32, #tpu.memory_space<vmem>>, vector<16xf32>,
      %parallel_loop3A_244 = arith.constant 16 : i32
      %parallel_loop3A_245 = arith.muli %parallel_loop3A_66, %parallel_loop3A_244 : i32
      %parallel_loop3A_246 = arith.constant 14 : i32
      %parallel_loop3A_247 = arith.index_cast %parallel_loop3A_64 : i32 to index
      %parallel_loop3A_248 = arith.index_cast %parallel_loop3A_246 : i32 to index
      %parallel_loop3A_249 = arith.index_cast %parallel_loop3A_245 : i32 to index
      %parallel_loop3A_250 = tpu.vector_load %arg8[%parallel_loop3A_247, %parallel_loop3A_248, %parallel_loop3A_249] {strides = array<i32>} : memref<4x16x512xf32, #tpu.memory_space<vmem>>, vector<16xf32>,
      tpu.vector_store %arg8[%parallel_loop3A_247, %parallel_loop3A_248, %parallel_loop3A_249], %parallel_loop3A_141 {strides = array<i32>} : memref<4x16x512xf32, #tpu.memory_space<vmem>>, vector<16xf32>,
      %parallel_loop3A_251 = arith.constant 16 : i32
      %parallel_loop3A_252 = arith.muli %parallel_loop3A_66, %parallel_loop3A_251 : i32
      %parallel_loop3A_253 = arith.constant 15 : i32
      %parallel_loop3A_254 = arith.index_cast %parallel_loop3A_64 : i32 to index
      %parallel_loop3A_255 = arith.index_cast %parallel_loop3A_253 : i32 to index
      %parallel_loop3A_256 = arith.index_cast %parallel_loop3A_252 : i32 to index
      %parallel_loop3A_257 = tpu.vector_load %arg8[%parallel_loop3A_254, %parallel_loop3A_255, %parallel_loop3A_256] {strides = array<i32>} : memref<4x16x512xf32, #tpu.memory_space<vmem>>, vector<16xf32>,
      tpu.vector_store %arg8[%parallel_loop3A_254, %parallel_loop3A_255, %parallel_loop3A_256], %parallel_loop3A_145 {strides = array<i32>} : memref<4x16x512xf32, #tpu.memory_space<vmem>>, vector<16xf32>,
    } {sc.loop_unroll_factor = 2 : i64, sc.parallel_access}
    %dma_start3A_35 = arith.constant 4 : i32
    %dma_start3A_36 = arith.constant 0 : i32
    %dma_start3A_37 = tpu.memref_slice %arg4[%dma_start3A_35, %dma_start3A_36, %mul3A_4] : memref<200x16x16384xf32, #tpu.memory_space<hbm>> -> memref<4x16x512xf32, #tpu.memory_space<hbm>>
    %dma_start3A_38 = arith.constant 4 : i32
    %dma_start3A_39 = arith.constant 0 : i32
    %dma_start3A_40 = tpu.memref_slice %arg4[%dma_start3A_38, %dma_start3A_39, %mul3A_4] : memref<200x16x16384xf32, #tpu.memory_space<hbm>> -> memref<4x16x512xf32, #tpu.memory_space<hbm>>
    tpu.enqueue_dma source(%arg8 : memref<4x16x512xf32, #tpu.memory_space<vmem>>) target(%dma_start3A_40 : memref<4x16x512xf32, #tpu.memory_space<hbm>>) target_semaphore(%arg12 : memref<!tpu.dma_semaphore, #tpu.memory_space<semaphore_mem>>)
    %dma_start3A_41 = arith.constant 12 : i32
    %dma_start3A_42 = tpu.memref_slice %arg2[%dma_start3A_41, %mul3A_4] : memref<200x16384xf32, #tpu.memory_space<hbm>> -> memref<4x512xf32, #tpu.memory_space<hbm>>
    %dma_start3A_43 = arith.constant 12 : i32
    %dma_start3A_44 = tpu.memref_slice %arg2[%dma_start3A_43, %mul3A_4] : memref<200x16384xf32, #tpu.memory_space<hbm>> -> memref<4x512xf32, #tpu.memory_space<hbm>>
    tpu.enqueue_dma source(%dma_start3A_44 : memref<4x512xf32, #tpu.memory_space<hbm>>) target(%arg6 : memref<4x512xf32, #tpu.memory_space<vmem>>) target_semaphore(%arg11 : memref<!tpu.dma_semaphore, #tpu.memory_space<semaphore_mem>>)
    %scan3A = arith.constant 0 : i32
    %scan3A_45 = arith.constant 1 : i32
    %scan3A_46 = arith.constant 24 : i32
    %scan3A_47 = arith.addi %scan3A_45, %scan3A_46 : i32
    %scan3A_48 = arith.constant 1 : i32
    scf.for %scan3A_62 = %scan3A_45 to %scan3A_47 step %scan3A_48  : i32 {
      %mul3A_63 = arith.constant 2 : i32
      %mul3A_64 = arith.muli %scan3A_62, %mul3A_63 : i32
      %add3A_65 = arith.constant 0 : i32
      %add3A_66 = arith.addi %mul3A_64, %add3A_65 : i32
      %dma_wait3A_67 = arith.constant 0 : i32
      %dma_wait3A_68 = tpu.memref_slice %arg2[%dma_wait3A_67, %mul3A_4] : memref<200x16384xf32, #tpu.memory_space<hbm>> -> memref<4x512xf32, #tpu.memory_space<hbm>>
      %dma_wait3A_69 = arith.constant 0 : i32
      %dma_wait3A_70 = tpu.memref_slice %arg2[%dma_wait3A_69, %mul3A_4] : memref<200x16384xf32, #tpu.memory_space<hbm>> -> memref<4x512xf32, #tpu.memory_space<hbm>>
      tpu.wait_dma2 semaphore(%arg11 : memref<!tpu.dma_semaphore, #tpu.memory_space<semaphore_mem>>) src(%dma_wait3A_70 : memref<4x512xf32, #tpu.memory_space<hbm>>) dst(%arg5 : memref<4x512xf32, #tpu.memory_space<vmem>>)
      %dma_wait3A_71 = arith.constant 0 : i32
      %dma_wait3A_72 = arith.constant 0 : i32
      %dma_wait3A_73 = tpu.memref_slice %arg4[%dma_wait3A_71, %dma_wait3A_72, %mul3A_4] : memref<200x16x16384xf32, #tpu.memory_space<hbm>> -> memref<4x16x512xf32, #tpu.memory_space<hbm>>
      %dma_wait3A_74 = arith.constant 0 : i32
      %dma_wait3A_75 = arith.constant 0 : i32
      %dma_wait3A_76 = tpu.memref_slice %arg4[%dma_wait3A_74, %dma_wait3A_75, %mul3A_4] : memref<200x16x16384xf32, #tpu.memory_space<hbm>> -> memref<4x16x512xf32, #tpu.memory_space<hbm>>
      tpu.wait_dma2 semaphore(%arg12 : memref<!tpu.dma_semaphore, #tpu.memory_space<semaphore_mem>>) src(%arg7 : memref<4x16x512xf32, #tpu.memory_space<vmem>>) dst(%dma_wait3A_76 : memref<4x16x512xf32, #tpu.memory_space<hbm>>)
      %parallel_loop3A_77 = arith.constant 0 : i32
      %parallel_loop3A_78 = arith.constant 128 : i32
      %parallel_loop3A_79 = arith.constant 1 : i32
      scf.for %parallel_loop3A_120 = %parallel_loop3A_77 to %parallel_loop3A_78 step %parallel_loop3A_79  : i32 {
        %parallel_loop3A_121 = arith.constant 5 : i32
        %parallel_loop3A_122 = arith.shrui %parallel_loop3A_120, %parallel_loop3A_121 : i32
        %parallel_loop3A_123 = arith.constant 31 : i32
        %parallel_loop3A_124 = arith.andi %parallel_loop3A_120, %parallel_loop3A_123 : i32
        %parallel_loop3A_125 = arith.constant 16 : i32
        %parallel_loop3A_126 = arith.muli %parallel_loop3A_124, %parallel_loop3A_125 : i32
        %parallel_loop3A_127 = arith.index_cast %parallel_loop3A_122 : i32 to index
        %parallel_loop3A_128 = arith.index_cast %parallel_loop3A_126 : i32 to index
        %parallel_loop3A_129 = tpu.vector_load %arg5[%parallel_loop3A_127, %parallel_loop3A_128] {strides = array<i32>} : memref<4x512xf32, #tpu.memory_space<vmem>>, vector<16xf32>,
        %parallel_loop3A_130 = arith.constant 0.000000e+00 : f32
        %parallel_loop3A_131 = vector.broadcast %parallel_loop3A_130 : f32 to vector<16xf32>
        %parallel_loop3A_132 = arith.subf %parallel_loop3A_129, %parallel_loop3A_131 : vector<16xf32>
        %parallel_loop3A_133 = arith.constant 1.000000e-03 : f32
        %parallel_loop3A_134 = vector.broadcast %parallel_loop3A_133 : f32 to vector<16xf32>
        %parallel_loop3A_135 = arith.divf %parallel_loop3A_132, %parallel_loop3A_134 : vector<16xf32>
        %parallel_loop3A_136 = arith.fptosi %parallel_loop3A_135 : vector<16xf32> to vector<16xi32>
        %parallel_loop3A_137 = arith.constant 17 : i32
        %parallel_loop3A_138 = vector.broadcast %parallel_loop3A_137 : i32 to vector<16xi32>
        %parallel_loop3A_139 = arith.muli %parallel_loop3A_136, %parallel_loop3A_138 : vector<16xi32>
        %parallel_loop3A_140 = arith.constant 0 : i32
        %parallel_loop3A_141 = vector.broadcast %parallel_loop3A_140 : i32 to vector<16xi32>
        %parallel_loop3A_142 = arith.addi %parallel_loop3A_139, %parallel_loop3A_141 : vector<16xi32>
        %parallel_loop3A_143 = tpu.vector_load_idx %arg9[%parallel_loop3A_142] : memref<17000xf32, #tpu.memory_space<vmem>>[vector<16xi32>], vector<16xf32>,
        %parallel_loop3A_144 = arith.constant 1 : i32
        %parallel_loop3A_145 = vector.broadcast %parallel_loop3A_144 : i32 to vector<16xi32>
        %parallel_loop3A_146 = arith.addi %parallel_loop3A_139, %parallel_loop3A_145 : vector<16xi32>
        %parallel_loop3A_147 = tpu.vector_load_idx %arg9[%parallel_loop3A_146] : memref<17000xf32, #tpu.memory_space<vmem>>[vector<16xi32>], vector<16xf32>,
        %parallel_loop3A_148 = arith.constant 2 : i32
        %parallel_loop3A_149 = vector.broadcast %parallel_loop3A_148 : i32 to vector<16xi32>
        %parallel_loop3A_150 = arith.addi %parallel_loop3A_139, %parallel_loop3A_149 : vector<16xi32>
        %parallel_loop3A_151 = tpu.vector_load_idx %arg9[%parallel_loop3A_150] : memref<17000xf32, #tpu.memory_space<vmem>>[vector<16xi32>], vector<16xf32>,
        %parallel_loop3A_152 = arith.constant 3 : i32
        %parallel_loop3A_153 = vector.broadcast %parallel_loop3A_152 : i32 to vector<16xi32>
        %parallel_loop3A_154 = arith.addi %parallel_loop3A_139, %parallel_loop3A_153 : vector<16xi32>
        %parallel_loop3A_155 = tpu.vector_load_idx %arg9[%parallel_loop3A_154] : memref<17000xf32, #tpu.memory_space<vmem>>[vector<16xi32>], vector<16xf32>,
        %parallel_loop3A_156 = arith.constant 4 : i32
        %parallel_loop3A_157 = vector.broadcast %parallel_loop3A_156 : i32 to vector<16xi32>
        %parallel_loop3A_158 = arith.addi %parallel_loop3A_139, %parallel_loop3A_157 : vector<16xi32>
        %parallel_loop3A_159 = tpu.vector_load_idx %arg9[%parallel_loop3A_158] : memref<17000xf32, #tpu.memory_space<vmem>>[vector<16xi32>], vector<16xf32>,
        %parallel_loop3A_160 = arith.constant 5 : i32
        %parallel_loop3A_161 = vector.broadcast %parallel_loop3A_160 : i32 to vector<16xi32>
        %parallel_loop3A_162 = arith.addi %parallel_loop3A_139, %parallel_loop3A_161 : vector<16xi32>
        %parallel_loop3A_163 = tpu.vector_load_idx %arg9[%parallel_loop3A_162] : memref<17000xf32, #tpu.memory_space<vmem>>[vector<16xi32>], vector<16xf32>,
        %parallel_loop3A_164 = arith.constant 6 : i32
        %parallel_loop3A_165 = vector.broadcast %parallel_loop3A_164 : i32 to vector<16xi32>
        %parallel_loop3A_166 = arith.addi %parallel_loop3A_139, %parallel_loop3A_165 : vector<16xi32>
        %parallel_loop3A_167 = tpu.vector_load_idx %arg9[%parallel_loop3A_166] : memref<17000xf32, #tpu.memory_space<vmem>>[vector<16xi32>], vector<16xf32>,
        %parallel_loop3A_168 = arith.constant 7 : i32
        %parallel_loop3A_169 = vector.broadcast %parallel_loop3A_168 : i32 to vector<16xi32>
        %parallel_loop3A_170 = arith.addi %parallel_loop3A_139, %parallel_loop3A_169 : vector<16xi32>
        %parallel_loop3A_171 = tpu.vector_load_idx %arg9[%parallel_loop3A_170] : memref<17000xf32, #tpu.memory_space<vmem>>[vector<16xi32>], vector<16xf32>,
        %parallel_loop3A_172 = arith.constant 8 : i32
        %parallel_loop3A_173 = vector.broadcast %parallel_loop3A_172 : i32 to vector<16xi32>
        %parallel_loop3A_174 = arith.addi %parallel_loop3A_139, %parallel_loop3A_173 : vector<16xi32>
        %parallel_loop3A_175 = tpu.vector_load_idx %arg9[%parallel_loop3A_174] : memref<17000xf32, #tpu.memory_space<vmem>>[vector<16xi32>], vector<16xf32>,
        %parallel_loop3A_176 = arith.constant 9 : i32
        %parallel_loop3A_177 = vector.broadcast %parallel_loop3A_176 : i32 to vector<16xi32>
        %parallel_loop3A_178 = arith.addi %parallel_loop3A_139, %parallel_loop3A_177 : vector<16xi32>
        %parallel_loop3A_179 = tpu.vector_load_idx %arg9[%parallel_loop3A_178] : memref<17000xf32, #tpu.memory_space<vmem>>[vector<16xi32>], vector<16xf32>,
        %parallel_loop3A_180 = arith.constant 10 : i32
        %parallel_loop3A_181 = vector.broadcast %parallel_loop3A_180 : i32 to vector<16xi32>
        %parallel_loop3A_182 = arith.addi %parallel_loop3A_139, %parallel_loop3A_181 : vector<16xi32>
        %parallel_loop3A_183 = tpu.vector_load_idx %arg9[%parallel_loop3A_182] : memref<17000xf32, #tpu.memory_space<vmem>>[vector<16xi32>], vector<16xf32>,
        %parallel_loop3A_184 = arith.constant 11 : i32
        %parallel_loop3A_185 = vector.broadcast %parallel_loop3A_184 : i32 to vector<16xi32>
        %parallel_loop3A_186 = arith.addi %parallel_loop3A_139, %parallel_loop3A_185 : vector<16xi32>
        %parallel_loop3A_187 = tpu.vector_load_idx %arg9[%parallel_loop3A_186] : memref<17000xf32, #tpu.memory_space<vmem>>[vector<16xi32>], vector<16xf32>,
        %parallel_loop3A_188 = arith.constant 12 : i32
        %parallel_loop3A_189 = vector.broadcast %parallel_loop3A_188 : i32 to vector<16xi32>
        %parallel_loop3A_190 = arith.addi %parallel_loop3A_139, %parallel_loop3A_189 : vector<16xi32>
        %parallel_loop3A_191 = tpu.vector_load_idx %arg9[%parallel_loop3A_190] : memref<17000xf32, #tpu.memory_space<vmem>>[vector<16xi32>], vector<16xf32>,
        %parallel_loop3A_192 = arith.constant 13 : i32
        %parallel_loop3A_193 = vector.broadcast %parallel_loop3A_192 : i32 to vector<16xi32>
        %parallel_loop3A_194 = arith.addi %parallel_loop3A_139, %parallel_loop3A_193 : vector<16xi32>
        %parallel_loop3A_195 = tpu.vector_load_idx %arg9[%parallel_loop3A_194] : memref<17000xf32, #tpu.memory_space<vmem>>[vector<16xi32>], vector<16xf32>,
        %parallel_loop3A_196 = arith.constant 14 : i32
        %parallel_loop3A_197 = vector.broadcast %parallel_loop3A_196 : i32 to vector<16xi32>
        %parallel_loop3A_198 = arith.addi %parallel_loop3A_139, %parallel_loop3A_197 : vector<16xi32>
        %parallel_loop3A_199 = tpu.vector_load_idx %arg9[%parallel_loop3A_198] : memref<17000xf32, #tpu.memory_space<vmem>>[vector<16xi32>], vector<16xf32>,
        %parallel_loop3A_200 = arith.constant 15 : i32
        %parallel_loop3A_201 = vector.broadcast %parallel_loop3A_200 : i32 to vector<16xi32>
        %parallel_loop3A_202 = arith.addi %parallel_loop3A_139, %parallel_loop3A_201 : vector<16xi32>
        %parallel_loop3A_203 = tpu.vector_load_idx %arg9[%parallel_loop3A_202] : memref<17000xf32, #tpu.memory_space<vmem>>[vector<16xi32>], vector<16xf32>,
        %parallel_loop3A_204 = arith.constant 16 : i32
        %parallel_loop3A_205 = arith.muli %parallel_loop3A_124, %parallel_loop3A_204 : i32
        %parallel_loop3A_206 = arith.constant 0 : i32
        %parallel_loop3A_207 = arith.index_cast %parallel_loop3A_122 : i32 to index
        %parallel_loop3A_208 = arith.index_cast %parallel_loop3A_206 : i32 to index
        %parallel_loop3A_209 = arith.index_cast %parallel_loop3A_205 : i32 to index
        %parallel_loop3A_210 = tpu.vector_load %arg7[%parallel_loop3A_207, %parallel_loop3A_208, %parallel_loop3A_209] {strides = array<i32>} : memref<4x16x512xf32, #tpu.memory_space<vmem>>, vector<16xf32>,
        tpu.vector_store %arg7[%parallel_loop3A_207, %parallel_loop3A_208, %parallel_loop3A_209], %parallel_loop3A_143 {strides = array<i32>} : memref<4x16x512xf32, #tpu.memory_space<vmem>>, vector<16xf32>,
        %parallel_loop3A_211 = arith.constant 16 : i32
        %parallel_loop3A_212 = arith.muli %parallel_loop3A_124, %parallel_loop3A_211 : i32
        %parallel_loop3A_213 = arith.constant 1 : i32
        %parallel_loop3A_214 = arith.index_cast %parallel_loop3A_122 : i32 to index
        %parallel_loop3A_215 = arith.index_cast %parallel_loop3A_213 : i32 to index
        %parallel_loop3A_216 = arith.index_cast %parallel_loop3A_212 : i32 to index
        %parallel_loop3A_217 = tpu.vector_load %arg7[%parallel_loop3A_214, %parallel_loop3A_215, %parallel_loop3A_216] {strides = array<i32>} : memref<4x16x512xf32, #tpu.memory_space<vmem>>, vector<16xf32>,
        tpu.vector_store %arg7[%parallel_loop3A_214, %parallel_loop3A_215, %parallel_loop3A_216], %parallel_loop3A_147 {strides = array<i32>} : memref<4x16x512xf32, #tpu.memory_space<vmem>>, vector<16xf32>,
        %parallel_loop3A_218 = arith.constant 16 : i32
        %parallel_loop3A_219 = arith.muli %parallel_loop3A_124, %parallel_loop3A_218 : i32
        %parallel_loop3A_220 = arith.constant 2 : i32
        %parallel_loop3A_221 = arith.index_cast %parallel_loop3A_122 : i32 to index
        %parallel_loop3A_222 = arith.index_cast %parallel_loop3A_220 : i32 to index
        %parallel_loop3A_223 = arith.index_cast %parallel_loop3A_219 : i32 to index
        %parallel_loop3A_224 = tpu.vector_load %arg7[%parallel_loop3A_221, %parallel_loop3A_222, %parallel_loop3A_223] {strides = array<i32>} : memref<4x16x512xf32, #tpu.memory_space<vmem>>, vector<16xf32>,
        tpu.vector_store %arg7[%parallel_loop3A_221, %parallel_loop3A_222, %parallel_loop3A_223], %parallel_loop3A_151 {strides = array<i32>} : memref<4x16x512xf32, #tpu.memory_space<vmem>>, vector<16xf32>,
        %parallel_loop3A_225 = arith.constant 16 : i32
        %parallel_loop3A_226 = arith.muli %parallel_loop3A_124, %parallel_loop3A_225 : i32
        %parallel_loop3A_227 = arith.constant 3 : i32
        %parallel_loop3A_228 = arith.index_cast %parallel_loop3A_122 : i32 to index
        %parallel_loop3A_229 = arith.index_cast %parallel_loop3A_227 : i32 to index
        %parallel_loop3A_230 = arith.index_cast %parallel_loop3A_226 : i32 to index
        %parallel_loop3A_231 = tpu.vector_load %arg7[%parallel_loop3A_228, %parallel_loop3A_229, %parallel_loop3A_230] {strides = array<i32>} : memref<4x16x512xf32, #tpu.memory_space<vmem>>, vector<16xf32>,
        tpu.vector_store %arg7[%parallel_loop3A_228, %parallel_loop3A_229, %parallel_loop3A_230], %parallel_loop3A_155 {strides = array<i32>} : memref<4x16x512xf32, #tpu.memory_space<vmem>>, vector<16xf32>,
        %parallel_loop3A_232 = arith.constant 16 : i32
        %parallel_loop3A_233 = arith.muli %parallel_loop3A_124, %parallel_loop3A_232 : i32
        %parallel_loop3A_234 = arith.constant 4 : i32
        %parallel_loop3A_235 = arith.index_cast %parallel_loop3A_122 : i32 to index
        %parallel_loop3A_236 = arith.index_cast %parallel_loop3A_234 : i32 to index
        %parallel_loop3A_237 = arith.index_cast %parallel_loop3A_233 : i32 to index
        %parallel_loop3A_238 = tpu.vector_load %arg7[%parallel_loop3A_235, %parallel_loop3A_236, %parallel_loop3A_237] {strides = array<i32>} : memref<4x16x512xf32, #tpu.memory_space<vmem>>, vector<16xf32>,
        tpu.vector_store %arg7[%parallel_loop3A_235, %parallel_loop3A_236, %parallel_loop3A_237], %parallel_loop3A_159 {strides = array<i32>} : memref<4x16x512xf32, #tpu.memory_space<vmem>>, vector<16xf32>,
        %parallel_loop3A_239 = arith.constant 16 : i32
        %parallel_loop3A_240 = arith.muli %parallel_loop3A_124, %parallel_loop3A_239 : i32
        %parallel_loop3A_241 = arith.constant 5 : i32
        %parallel_loop3A_242 = arith.index_cast %parallel_loop3A_122 : i32 to index
        %parallel_loop3A_243 = arith.index_cast %parallel_loop3A_241 : i32 to index
        %parallel_loop3A_244 = arith.index_cast %parallel_loop3A_240 : i32 to index
        %parallel_loop3A_245 = tpu.vector_load %arg7[%parallel_loop3A_242, %parallel_loop3A_243, %parallel_loop3A_244] {strides = array<i32>} : memref<4x16x512xf32, #tpu.memory_space<vmem>>, vector<16xf32>,
        tpu.vector_store %arg7[%parallel_loop3A_242, %parallel_loop3A_243, %parallel_loop3A_244], %parallel_loop3A_163 {strides = array<i32>} : memref<4x16x512xf32, #tpu.memory_space<vmem>>, vector<16xf32>,
        %parallel_loop3A_246 = arith.constant 16 : i32
        %parallel_loop3A_247 = arith.muli %parallel_loop3A_124, %parallel_loop3A_246 : i32
        %parallel_loop3A_248 = arith.constant 6 : i32
        %parallel_loop3A_249 = arith.index_cast %parallel_loop3A_122 : i32 to index
        %parallel_loop3A_250 = arith.index_cast %parallel_loop3A_248 : i32 to index
        %parallel_loop3A_251 = arith.index_cast %parallel_loop3A_247 : i32 to index
        %parallel_loop3A_252 = tpu.vector_load %arg7[%parallel_loop3A_249, %parallel_loop3A_250, %parallel_loop3A_251] {strides = array<i32>} : memref<4x16x512xf32, #tpu.memory_space<vmem>>, vector<16xf32>,
        tpu.vector_store %arg7[%parallel_loop3A_249, %parallel_loop3A_250, %parallel_loop3A_251], %parallel_loop3A_167 {strides = array<i32>} : memref<4x16x512xf32, #tpu.memory_space<vmem>>, vector<16xf32>,
        %parallel_loop3A_253 = arith.constant 16 : i32
        %parallel_loop3A_254 = arith.muli %parallel_loop3A_124, %parallel_loop3A_253 : i32
        %parallel_loop3A_255 = arith.constant 7 : i32
        %parallel_loop3A_256 = arith.index_cast %parallel_loop3A_122 : i32 to index
        %parallel_loop3A_257 = arith.index_cast %parallel_loop3A_255 : i32 to index
        %parallel_loop3A_258 = arith.index_cast %parallel_loop3A_254 : i32 to index
        %parallel_loop3A_259 = tpu.vector_load %arg7[%parallel_loop3A_256, %parallel_loop3A_257, %parallel_loop3A_258] {strides = array<i32>} : memref<4x16x512xf32, #tpu.memory_space<vmem>>, vector<16xf32>,
        tpu.vector_store %arg7[%parallel_loop3A_256, %parallel_loop3A_257, %parallel_loop3A_258], %parallel_loop3A_171 {strides = array<i32>} : memref<4x16x512xf32, #tpu.memory_space<vmem>>, vector<16xf32>,
        %parallel_loop3A_260 = arith.constant 16 : i32
        %parallel_loop3A_261 = arith.muli %parallel_loop3A_124, %parallel_loop3A_260 : i32
        %parallel_loop3A_262 = arith.constant 8 : i32
        %parallel_loop3A_263 = arith.index_cast %parallel_loop3A_122 : i32 to index
        %parallel_loop3A_264 = arith.index_cast %parallel_loop3A_262 : i32 to index
        %parallel_loop3A_265 = arith.index_cast %parallel_loop3A_261 : i32 to index
        %parallel_loop3A_266 = tpu.vector_load %arg7[%parallel_loop3A_263, %parallel_loop3A_264, %parallel_loop3A_265] {strides = array<i32>} : memref<4x16x512xf32, #tpu.memory_space<vmem>>, vector<16xf32>,
        tpu.vector_store %arg7[%parallel_loop3A_263, %parallel_loop3A_264, %parallel_loop3A_265], %parallel_loop3A_175 {strides = array<i32>} : memref<4x16x512xf32, #tpu.memory_space<vmem>>, vector<16xf32>,
        %parallel_loop3A_267 = arith.constant 16 : i32
        %parallel_loop3A_268 = arith.muli %parallel_loop3A_124, %parallel_loop3A_267 : i32
        %parallel_loop3A_269 = arith.constant 9 : i32
        %parallel_loop3A_270 = arith.index_cast %parallel_loop3A_122 : i32 to index
        %parallel_loop3A_271 = arith.index_cast %parallel_loop3A_269 : i32 to index
        %parallel_loop3A_272 = arith.index_cast %parallel_loop3A_268 : i32 to index
        %parallel_loop3A_273 = tpu.vector_load %arg7[%parallel_loop3A_270, %parallel_loop3A_271, %parallel_loop3A_272] {strides = array<i32>} : memref<4x16x512xf32, #tpu.memory_space<vmem>>, vector<16xf32>,
        tpu.vector_store %arg7[%parallel_loop3A_270, %parallel_loop3A_271, %parallel_loop3A_272], %parallel_loop3A_179 {strides = array<i32>} : memref<4x16x512xf32, #tpu.memory_space<vmem>>, vector<16xf32>,
        %parallel_loop3A_274 = arith.constant 16 : i32
        %parallel_loop3A_275 = arith.muli %parallel_loop3A_124, %parallel_loop3A_274 : i32
        %parallel_loop3A_276 = arith.constant 10 : i32
        %parallel_loop3A_277 = arith.index_cast %parallel_loop3A_122 : i32 to index
        %parallel_loop3A_278 = arith.index_cast %parallel_loop3A_276 : i32 to index
        %parallel_loop3A_279 = arith.index_cast %parallel_loop3A_275 : i32 to index
        %parallel_loop3A_280 = tpu.vector_load %arg7[%parallel_loop3A_277, %parallel_loop3A_278, %parallel_loop3A_279] {strides = array<i32>} : memref<4x16x512xf32, #tpu.memory_space<vmem>>, vector<16xf32>,
        tpu.vector_store %arg7[%parallel_loop3A_277, %parallel_loop3A_278, %parallel_loop3A_279], %parallel_loop3A_183 {strides = array<i32>} : memref<4x16x512xf32, #tpu.memory_space<vmem>>, vector<16xf32>,
        %parallel_loop3A_281 = arith.constant 16 : i32
        %parallel_loop3A_282 = arith.muli %parallel_loop3A_124, %parallel_loop3A_281 : i32
        %parallel_loop3A_283 = arith.constant 11 : i32
        %parallel_loop3A_284 = arith.index_cast %parallel_loop3A_122 : i32 to index
        %parallel_loop3A_285 = arith.index_cast %parallel_loop3A_283 : i32 to index
        %parallel_loop3A_286 = arith.index_cast %parallel_loop3A_282 : i32 to index
        %parallel_loop3A_287 = tpu.vector_load %arg7[%parallel_loop3A_284, %parallel_loop3A_285, %parallel_loop3A_286] {strides = array<i32>} : memref<4x16x512xf32, #tpu.memory_space<vmem>>, vector<16xf32>,
        tpu.vector_store %arg7[%parallel_loop3A_284, %parallel_loop3A_285, %parallel_loop3A_286], %parallel_loop3A_187 {strides = array<i32>} : memref<4x16x512xf32, #tpu.memory_space<vmem>>, vector<16xf32>,
        %parallel_loop3A_288 = arith.constant 16 : i32
        %parallel_loop3A_289 = arith.muli %parallel_loop3A_124, %parallel_loop3A_288 : i32
        %parallel_loop3A_290 = arith.constant 12 : i32
        %parallel_loop3A_291 = arith.index_cast %parallel_loop3A_122 : i32 to index
        %parallel_loop3A_292 = arith.index_cast %parallel_loop3A_290 : i32 to index
        %parallel_loop3A_293 = arith.index_cast %parallel_loop3A_289 : i32 to index
        %parallel_loop3A_294 = tpu.vector_load %arg7[%parallel_loop3A_291, %parallel_loop3A_292, %parallel_loop3A_293] {strides = array<i32>} : memref<4x16x512xf32, #tpu.memory_space<vmem>>, vector<16xf32>,
        tpu.vector_store %arg7[%parallel_loop3A_291, %parallel_loop3A_292, %parallel_loop3A_293], %parallel_loop3A_191 {strides = array<i32>} : memref<4x16x512xf32, #tpu.memory_space<vmem>>, vector<16xf32>,
        %parallel_loop3A_295 = arith.constant 16 : i32
        %parallel_loop3A_296 = arith.muli %parallel_loop3A_124, %parallel_loop3A_295 : i32
        %parallel_loop3A_297 = arith.constant 13 : i32
        %parallel_loop3A_298 = arith.index_cast %parallel_loop3A_122 : i32 to index
        %parallel_loop3A_299 = arith.index_cast %parallel_loop3A_297 : i32 to index
        %parallel_loop3A_300 = arith.index_cast %parallel_loop3A_296 : i32 to index
        %parallel_loop3A_301 = tpu.vector_load %arg7[%parallel_loop3A_298, %parallel_loop3A_299, %parallel_loop3A_300] {strides = array<i32>} : memref<4x16x512xf32, #tpu.memory_space<vmem>>, vector<16xf32>,
        tpu.vector_store %arg7[%parallel_loop3A_298, %parallel_loop3A_299, %parallel_loop3A_300], %parallel_loop3A_195 {strides = array<i32>} : memref<4x16x512xf32, #tpu.memory_space<vmem>>, vector<16xf32>,
        %parallel_loop3A_302 = arith.constant 16 : i32
        %parallel_loop3A_303 = arith.muli %parallel_loop3A_124, %parallel_loop3A_302 : i32
        %parallel_loop3A_304 = arith.constant 14 : i32
        %parallel_loop3A_305 = arith.index_cast %parallel_loop3A_122 : i32 to index
        %parallel_loop3A_306 = arith.index_cast %parallel_loop3A_304 : i32 to index
        %parallel_loop3A_307 = arith.index_cast %parallel_loop3A_303 : i32 to index
        %parallel_loop3A_308 = tpu.vector_load %arg7[%parallel_loop3A_305, %parallel_loop3A_306, %parallel_loop3A_307] {strides = array<i32>} : memref<4x16x512xf32, #tpu.memory_space<vmem>>, vector<16xf32>,
        tpu.vector_store %arg7[%parallel_loop3A_305, %parallel_loop3A_306, %parallel_loop3A_307], %parallel_loop3A_199 {strides = array<i32>} : memref<4x16x512xf32, #tpu.memory_space<vmem>>, vector<16xf32>,
        %parallel_loop3A_309 = arith.constant 16 : i32
        %parallel_loop3A_310 = arith.muli %parallel_loop3A_124, %parallel_loop3A_309 : i32
        %parallel_loop3A_311 = arith.constant 15 : i32
        %parallel_loop3A_312 = arith.index_cast %parallel_loop3A_122 : i32 to index
        %parallel_loop3A_313 = arith.index_cast %parallel_loop3A_311 : i32 to index
        %parallel_loop3A_314 = arith.index_cast %parallel_loop3A_310 : i32 to index
        %parallel_loop3A_315 = tpu.vector_load %arg7[%parallel_loop3A_312, %parallel_loop3A_313, %parallel_loop3A_314] {strides = array<i32>} : memref<4x16x512xf32, #tpu.memory_space<vmem>>, vector<16xf32>,
        tpu.vector_store %arg7[%parallel_loop3A_312, %parallel_loop3A_313, %parallel_loop3A_314], %parallel_loop3A_203 {strides = array<i32>} : memref<4x16x512xf32, #tpu.memory_space<vmem>>, vector<16xf32>,
      } {sc.loop_unroll_factor = 2 : i64, sc.parallel_access}
      %mul3A_80 = arith.constant 4 : i32
      %mul3A_81 = arith.muli %add3A_66, %mul3A_80 : i32
      %dma_start3A_82 = arith.constant 0 : i32
      %dma_start3A_83 = tpu.memref_slice %arg4[%mul3A_81, %dma_start3A_82, %mul3A_4] : memref<200x16x16384xf32, #tpu.memory_space<hbm>> -> memref<4x16x512xf32, #tpu.memory_space<hbm>>
      %dma_start3A_84 = arith.constant 0 : i32
      %dma_start3A_85 = tpu.memref_slice %arg4[%mul3A_81, %dma_start3A_84, %mul3A_4] : memref<200x16x16384xf32, #tpu.memory_space<hbm>> -> memref<4x16x512xf32, #tpu.memory_space<hbm>>
      tpu.enqueue_dma source(%arg7 : memref<4x16x512xf32, #tpu.memory_space<vmem>>) target(%dma_start3A_85 : memref<4x16x512xf32, #tpu.memory_space<hbm>>) target_semaphore(%arg12 : memref<!tpu.dma_semaphore, #tpu.memory_space<semaphore_mem>>)
      %add3A_86 = arith.constant 2 : i32
      %add3A_87 = arith.addi %add3A_66, %add3A_86 : i32
      %lt3A = arith.constant 50 : i32
      %lt3A_88 = arith.cmpi slt, %add3A_87, %lt3A : i32
      %convert_element_type3A = arith.extui %lt3A_88 : i1 to i32
      %cond3A = arith.constant 0 : i32
      %cond3A_89 = arith.cmpi ne, %convert_element_type3A, %cond3A : i32
      scf.if %cond3A_89 {
        %add3A_120 = arith.constant 2 : i32
        %add3A_121 = arith.addi %add3A_66, %add3A_120 : i32
        %mul3A_122 = arith.constant 4 : i32
        %mul3A_123 = arith.muli %add3A_121, %mul3A_122 : i32
        %dma_start3A_124 = tpu.memref_slice %arg2[%mul3A_123, %mul3A_4] : memref<200x16384xf32, #tpu.memory_space<hbm>> -> memref<4x512xf32, #tpu.memory_space<hbm>>
        %dma_start3A_125 = tpu.memref_slice %arg2[%mul3A_123, %mul3A_4] : memref<200x16384xf32, #tpu.memory_space<hbm>> -> memref<4x512xf32, #tpu.memory_space<hbm>>
        tpu.enqueue_dma source(%dma_start3A_125 : memref<4x512xf32, #tpu.memory_space<hbm>>) target(%arg5 : memref<4x512xf32, #tpu.memory_space<vmem>>) target_semaphore(%arg11 : memref<!tpu.dma_semaphore, #tpu.memory_space<semaphore_mem>>)
      } else {
      }
      %mul3A_90 = arith.constant 2 : i32
      %mul3A_91 = arith.muli %scan3A_62, %mul3A_90 : i32
      %add3A_92 = arith.constant 1 : i32
      %add3A_93 = arith.addi %mul3A_91, %add3A_92 : i32
      %dma_wait3A_94 = arith.constant 0 : i32
      %dma_wait3A_95 = tpu.memref_slice %arg2[%dma_wait3A_94, %mul3A_4] : memref<200x16384xf32, #tpu.memory_space<hbm>> -> memref<4x512xf32, #tpu.memory_space<hbm>>
      %dma_wait3A_96 = arith.constant 0 : i32
      %dma_wait3A_97 = tpu.memref_slice %arg2[%dma_wait3A_96, %mul3A_4] : memref<200x16384xf32, #tpu.memory_space<hbm>> -> memref<4x512xf32, #tpu.memory_space<hbm>>
      tpu.wait_dma2 semaphore(%arg11 : memref<!tpu.dma_semaphore, #tpu.memory_space<semaphore_mem>>) src(%dma_wait3A_97 : memref<4x512xf32, #tpu.memory_space<hbm>>) dst(%arg6 : memref<4x512xf32, #tpu.memory_space<vmem>>)
      %dma_wait3A_98 = arith.constant 0 : i32
      %dma_wait3A_99 = arith.constant 0 : i32
      %dma_wait3A_100 = tpu.memref_slice %arg4[%dma_wait3A_98, %dma_wait3A_99, %mul3A_4] : memref<200x16x16384xf32, #tpu.memory_space<hbm>> -> memref<4x16x512xf32, #tpu.memory_space<hbm>>
      %dma_wait3A_101 = arith.constant 0 : i32
      %dma_wait3A_102 = arith.constant 0 : i32
      %dma_wait3A_103 = tpu.memref_slice %arg4[%dma_wait3A_101, %dma_wait3A_102, %mul3A_4] : memref<200x16x16384xf32, #tpu.memory_space<hbm>> -> memref<4x16x512xf32, #tpu.memory_space<hbm>>
      tpu.wait_dma2 semaphore(%arg12 : memref<!tpu.dma_semaphore, #tpu.memory_space<semaphore_mem>>) src(%arg8 : memref<4x16x512xf32, #tpu.memory_space<vmem>>) dst(%dma_wait3A_103 : memref<4x16x512xf32, #tpu.memory_space<hbm>>)
      %parallel_loop3A_104 = arith.constant 0 : i32
      %parallel_loop3A_105 = arith.constant 128 : i32
      %parallel_loop3A_106 = arith.constant 1 : i32
      scf.for %parallel_loop3A_120 = %parallel_loop3A_104 to %parallel_loop3A_105 step %parallel_loop3A_106  : i32 {
        %parallel_loop3A_121 = arith.constant 5 : i32
        %parallel_loop3A_122 = arith.shrui %parallel_loop3A_120, %parallel_loop3A_121 : i32
        %parallel_loop3A_123 = arith.constant 31 : i32
        %parallel_loop3A_124 = arith.andi %parallel_loop3A_120, %parallel_loop3A_123 : i32
        %parallel_loop3A_125 = arith.constant 16 : i32
        %parallel_loop3A_126 = arith.muli %parallel_loop3A_124, %parallel_loop3A_125 : i32
        %parallel_loop3A_127 = arith.index_cast %parallel_loop3A_122 : i32 to index
        %parallel_loop3A_128 = arith.index_cast %parallel_loop3A_126 : i32 to index
        %parallel_loop3A_129 = tpu.vector_load %arg6[%parallel_loop3A_127, %parallel_loop3A_128] {strides = array<i32>} : memref<4x512xf32, #tpu.memory_space<vmem>>, vector<16xf32>,
        %parallel_loop3A_130 = arith.constant 0.000000e+00 : f32
        %parallel_loop3A_131 = vector.broadcast %parallel_loop3A_130 : f32 to vector<16xf32>
        %parallel_loop3A_132 = arith.subf %parallel_loop3A_129, %parallel_loop3A_131 : vector<16xf32>
        %parallel_loop3A_133 = arith.constant 1.000000e-03 : f32
        %parallel_loop3A_134 = vector.broadcast %parallel_loop3A_133 : f32 to vector<16xf32>
        %parallel_loop3A_135 = arith.divf %parallel_loop3A_132, %parallel_loop3A_134 : vector<16xf32>
        %parallel_loop3A_136 = arith.fptosi %parallel_loop3A_135 : vector<16xf32> to vector<16xi32>
        %parallel_loop3A_137 = arith.constant 17 : i32
        %parallel_loop3A_138 = vector.broadcast %parallel_loop3A_137 : i32 to vector<16xi32>
        %parallel_loop3A_139 = arith.muli %parallel_loop3A_136, %parallel_loop3A_138 : vector<16xi32>
        %parallel_loop3A_140 = arith.constant 0 : i32
        %parallel_loop3A_141 = vector.broadcast %parallel_loop3A_140 : i32 to vector<16xi32>
        %parallel_loop3A_142 = arith.addi %parallel_loop3A_139, %parallel_loop3A_141 : vector<16xi32>
        %parallel_loop3A_143 = tpu.vector_load_idx %arg9[%parallel_loop3A_142] : memref<17000xf32, #tpu.memory_space<vmem>>[vector<16xi32>], vector<16xf32>,
        %parallel_loop3A_144 = arith.constant 1 : i32
        %parallel_loop3A_145 = vector.broadcast %parallel_loop3A_144 : i32 to vector<16xi32>
        %parallel_loop3A_146 = arith.addi %parallel_loop3A_139, %parallel_loop3A_145 : vector<16xi32>
        %parallel_loop3A_147 = tpu.vector_load_idx %arg9[%parallel_loop3A_146] : memref<17000xf32, #tpu.memory_space<vmem>>[vector<16xi32>], vector<16xf32>,
        %parallel_loop3A_148 = arith.constant 2 : i32
        %parallel_loop3A_149 = vector.broadcast %parallel_loop3A_148 : i32 to vector<16xi32>
        %parallel_loop3A_150 = arith.addi %parallel_loop3A_139, %parallel_loop3A_149 : vector<16xi32>
        %parallel_loop3A_151 = tpu.vector_load_idx %arg9[%parallel_loop3A_150] : memref<17000xf32, #tpu.memory_space<vmem>>[vector<16xi32>], vector<16xf32>,
        %parallel_loop3A_152 = arith.constant 3 : i32
        %parallel_loop3A_153 = vector.broadcast %parallel_loop3A_152 : i32 to vector<16xi32>
        %parallel_loop3A_154 = arith.addi %parallel_loop3A_139, %parallel_loop3A_153 : vector<16xi32>
        %parallel_loop3A_155 = tpu.vector_load_idx %arg9[%parallel_loop3A_154] : memref<17000xf32, #tpu.memory_space<vmem>>[vector<16xi32>], vector<16xf32>,
        %parallel_loop3A_156 = arith.constant 4 : i32
        %parallel_loop3A_157 = vector.broadcast %parallel_loop3A_156 : i32 to vector<16xi32>
        %parallel_loop3A_158 = arith.addi %parallel_loop3A_139, %parallel_loop3A_157 : vector<16xi32>
        %parallel_loop3A_159 = tpu.vector_load_idx %arg9[%parallel_loop3A_158] : memref<17000xf32, #tpu.memory_space<vmem>>[vector<16xi32>], vector<16xf32>,
        %parallel_loop3A_160 = arith.constant 5 : i32
        %parallel_loop3A_161 = vector.broadcast %parallel_loop3A_160 : i32 to vector<16xi32>
        %parallel_loop3A_162 = arith.addi %parallel_loop3A_139, %parallel_loop3A_161 : vector<16xi32>
        %parallel_loop3A_163 = tpu.vector_load_idx %arg9[%parallel_loop3A_162] : memref<17000xf32, #tpu.memory_space<vmem>>[vector<16xi32>], vector<16xf32>,
        %parallel_loop3A_164 = arith.constant 6 : i32
        %parallel_loop3A_165 = vector.broadcast %parallel_loop3A_164 : i32 to vector<16xi32>
        %parallel_loop3A_166 = arith.addi %parallel_loop3A_139, %parallel_loop3A_165 : vector<16xi32>
        %parallel_loop3A_167 = tpu.vector_load_idx %arg9[%parallel_loop3A_166] : memref<17000xf32, #tpu.memory_space<vmem>>[vector<16xi32>], vector<16xf32>,
        %parallel_loop3A_168 = arith.constant 7 : i32
        %parallel_loop3A_169 = vector.broadcast %parallel_loop3A_168 : i32 to vector<16xi32>
        %parallel_loop3A_170 = arith.addi %parallel_loop3A_139, %parallel_loop3A_169 : vector<16xi32>
        %parallel_loop3A_171 = tpu.vector_load_idx %arg9[%parallel_loop3A_170] : memref<17000xf32, #tpu.memory_space<vmem>>[vector<16xi32>], vector<16xf32>,
        %parallel_loop3A_172 = arith.constant 8 : i32
        %parallel_loop3A_173 = vector.broadcast %parallel_loop3A_172 : i32 to vector<16xi32>
        %parallel_loop3A_174 = arith.addi %parallel_loop3A_139, %parallel_loop3A_173 : vector<16xi32>
        %parallel_loop3A_175 = tpu.vector_load_idx %arg9[%parallel_loop3A_174] : memref<17000xf32, #tpu.memory_space<vmem>>[vector<16xi32>], vector<16xf32>,
        %parallel_loop3A_176 = arith.constant 9 : i32
        %parallel_loop3A_177 = vector.broadcast %parallel_loop3A_176 : i32 to vector<16xi32>
        %parallel_loop3A_178 = arith.addi %parallel_loop3A_139, %parallel_loop3A_177 : vector<16xi32>
        %parallel_loop3A_179 = tpu.vector_load_idx %arg9[%parallel_loop3A_178] : memref<17000xf32, #tpu.memory_space<vmem>>[vector<16xi32>], vector<16xf32>,
        %parallel_loop3A_180 = arith.constant 10 : i32
        %parallel_loop3A_181 = vector.broadcast %parallel_loop3A_180 : i32 to vector<16xi32>
        %parallel_loop3A_182 = arith.addi %parallel_loop3A_139, %parallel_loop3A_181 : vector<16xi32>
        %parallel_loop3A_183 = tpu.vector_load_idx %arg9[%parallel_loop3A_182] : memref<17000xf32, #tpu.memory_space<vmem>>[vector<16xi32>], vector<16xf32>,
        %parallel_loop3A_184 = arith.constant 11 : i32
        %parallel_loop3A_185 = vector.broadcast %parallel_loop3A_184 : i32 to vector<16xi32>
        %parallel_loop3A_186 = arith.addi %parallel_loop3A_139, %parallel_loop3A_185 : vector<16xi32>
        %parallel_loop3A_187 = tpu.vector_load_idx %arg9[%parallel_loop3A_186] : memref<17000xf32, #tpu.memory_space<vmem>>[vector<16xi32>], vector<16xf32>,
        %parallel_loop3A_188 = arith.constant 12 : i32
        %parallel_loop3A_189 = vector.broadcast %parallel_loop3A_188 : i32 to vector<16xi32>
        %parallel_loop3A_190 = arith.addi %parallel_loop3A_139, %parallel_loop3A_189 : vector<16xi32>
        %parallel_loop3A_191 = tpu.vector_load_idx %arg9[%parallel_loop3A_190] : memref<17000xf32, #tpu.memory_space<vmem>>[vector<16xi32>], vector<16xf32>,
        %parallel_loop3A_192 = arith.constant 13 : i32
        %parallel_loop3A_193 = vector.broadcast %parallel_loop3A_192 : i32 to vector<16xi32>
        %parallel_loop3A_194 = arith.addi %parallel_loop3A_139, %parallel_loop3A_193 : vector<16xi32>
        %parallel_loop3A_195 = tpu.vector_load_idx %arg9[%parallel_loop3A_194] : memref<17000xf32, #tpu.memory_space<vmem>>[vector<16xi32>], vector<16xf32>,
        %parallel_loop3A_196 = arith.constant 14 : i32
        %parallel_loop3A_197 = vector.broadcast %parallel_loop3A_196 : i32 to vector<16xi32>
        %parallel_loop3A_198 = arith.addi %parallel_loop3A_139, %parallel_loop3A_197 : vector<16xi32>
        %parallel_loop3A_199 = tpu.vector_load_idx %arg9[%parallel_loop3A_198] : memref<17000xf32, #tpu.memory_space<vmem>>[vector<16xi32>], vector<16xf32>,
        %parallel_loop3A_200 = arith.constant 15 : i32
        %parallel_loop3A_201 = vector.broadcast %parallel_loop3A_200 : i32 to vector<16xi32>
        %parallel_loop3A_202 = arith.addi %parallel_loop3A_139, %parallel_loop3A_201 : vector<16xi32>
        %parallel_loop3A_203 = tpu.vector_load_idx %arg9[%parallel_loop3A_202] : memref<17000xf32, #tpu.memory_space<vmem>>[vector<16xi32>], vector<16xf32>,
        %parallel_loop3A_204 = arith.constant 16 : i32
        %parallel_loop3A_205 = arith.muli %parallel_loop3A_124, %parallel_loop3A_204 : i32
        %parallel_loop3A_206 = arith.constant 0 : i32
        %parallel_loop3A_207 = arith.index_cast %parallel_loop3A_122 : i32 to index
        %parallel_loop3A_208 = arith.index_cast %parallel_loop3A_206 : i32 to index
        %parallel_loop3A_209 = arith.index_cast %parallel_loop3A_205 : i32 to index
        %parallel_loop3A_210 = tpu.vector_load %arg8[%parallel_loop3A_207, %parallel_loop3A_208, %parallel_loop3A_209] {strides = array<i32>} : memref<4x16x512xf32, #tpu.memory_space<vmem>>, vector<16xf32>,
        tpu.vector_store %arg8[%parallel_loop3A_207, %parallel_loop3A_208, %parallel_loop3A_209], %parallel_loop3A_143 {strides = array<i32>} : memref<4x16x512xf32, #tpu.memory_space<vmem>>, vector<16xf32>,
        %parallel_loop3A_211 = arith.constant 16 : i32
        %parallel_loop3A_212 = arith.muli %parallel_loop3A_124, %parallel_loop3A_211 : i32
        %parallel_loop3A_213 = arith.constant 1 : i32
        %parallel_loop3A_214 = arith.index_cast %parallel_loop3A_122 : i32 to index
        %parallel_loop3A_215 = arith.index_cast %parallel_loop3A_213 : i32 to index
        %parallel_loop3A_216 = arith.index_cast %parallel_loop3A_212 : i32 to index
        %parallel_loop3A_217 = tpu.vector_load %arg8[%parallel_loop3A_214, %parallel_loop3A_215, %parallel_loop3A_216] {strides = array<i32>} : memref<4x16x512xf32, #tpu.memory_space<vmem>>, vector<16xf32>,
        tpu.vector_store %arg8[%parallel_loop3A_214, %parallel_loop3A_215, %parallel_loop3A_216], %parallel_loop3A_147 {strides = array<i32>} : memref<4x16x512xf32, #tpu.memory_space<vmem>>, vector<16xf32>,
        %parallel_loop3A_218 = arith.constant 16 : i32
        %parallel_loop3A_219 = arith.muli %parallel_loop3A_124, %parallel_loop3A_218 : i32
        %parallel_loop3A_220 = arith.constant 2 : i32
        %parallel_loop3A_221 = arith.index_cast %parallel_loop3A_122 : i32 to index
        %parallel_loop3A_222 = arith.index_cast %parallel_loop3A_220 : i32 to index
        %parallel_loop3A_223 = arith.index_cast %parallel_loop3A_219 : i32 to index
        %parallel_loop3A_224 = tpu.vector_load %arg8[%parallel_loop3A_221, %parallel_loop3A_222, %parallel_loop3A_223] {strides = array<i32>} : memref<4x16x512xf32, #tpu.memory_space<vmem>>, vector<16xf32>,
        tpu.vector_store %arg8[%parallel_loop3A_221, %parallel_loop3A_222, %parallel_loop3A_223], %parallel_loop3A_151 {strides = array<i32>} : memref<4x16x512xf32, #tpu.memory_space<vmem>>, vector<16xf32>,
        %parallel_loop3A_225 = arith.constant 16 : i32
        %parallel_loop3A_226 = arith.muli %parallel_loop3A_124, %parallel_loop3A_225 : i32
        %parallel_loop3A_227 = arith.constant 3 : i32
        %parallel_loop3A_228 = arith.index_cast %parallel_loop3A_122 : i32 to index
        %parallel_loop3A_229 = arith.index_cast %parallel_loop3A_227 : i32 to index
        %parallel_loop3A_230 = arith.index_cast %parallel_loop3A_226 : i32 to index
        %parallel_loop3A_231 = tpu.vector_load %arg8[%parallel_loop3A_228, %parallel_loop3A_229, %parallel_loop3A_230] {strides = array<i32>} : memref<4x16x512xf32, #tpu.memory_space<vmem>>, vector<16xf32>,
        tpu.vector_store %arg8[%parallel_loop3A_228, %parallel_loop3A_229, %parallel_loop3A_230], %parallel_loop3A_155 {strides = array<i32>} : memref<4x16x512xf32, #tpu.memory_space<vmem>>, vector<16xf32>,
        %parallel_loop3A_232 = arith.constant 16 : i32
        %parallel_loop3A_233 = arith.muli %parallel_loop3A_124, %parallel_loop3A_232 : i32
        %parallel_loop3A_234 = arith.constant 4 : i32
        %parallel_loop3A_235 = arith.index_cast %parallel_loop3A_122 : i32 to index
        %parallel_loop3A_236 = arith.index_cast %parallel_loop3A_234 : i32 to index
        %parallel_loop3A_237 = arith.index_cast %parallel_loop3A_233 : i32 to index
        %parallel_loop3A_238 = tpu.vector_load %arg8[%parallel_loop3A_235, %parallel_loop3A_236, %parallel_loop3A_237] {strides = array<i32>} : memref<4x16x512xf32, #tpu.memory_space<vmem>>, vector<16xf32>,
        tpu.vector_store %arg8[%parallel_loop3A_235, %parallel_loop3A_236, %parallel_loop3A_237], %parallel_loop3A_159 {strides = array<i32>} : memref<4x16x512xf32, #tpu.memory_space<vmem>>, vector<16xf32>,
        %parallel_loop3A_239 = arith.constant 16 : i32
        %parallel_loop3A_240 = arith.muli %parallel_loop3A_124, %parallel_loop3A_239 : i32
        %parallel_loop3A_241 = arith.constant 5 : i32
        %parallel_loop3A_242 = arith.index_cast %parallel_loop3A_122 : i32 to index
        %parallel_loop3A_243 = arith.index_cast %parallel_loop3A_241 : i32 to index
        %parallel_loop3A_244 = arith.index_cast %parallel_loop3A_240 : i32 to index
        %parallel_loop3A_245 = tpu.vector_load %arg8[%parallel_loop3A_242, %parallel_loop3A_243, %parallel_loop3A_244] {strides = array<i32>} : memref<4x16x512xf32, #tpu.memory_space<vmem>>, vector<16xf32>,
        tpu.vector_store %arg8[%parallel_loop3A_242, %parallel_loop3A_243, %parallel_loop3A_244], %parallel_loop3A_163 {strides = array<i32>} : memref<4x16x512xf32, #tpu.memory_space<vmem>>, vector<16xf32>,
        %parallel_loop3A_246 = arith.constant 16 : i32
        %parallel_loop3A_247 = arith.muli %parallel_loop3A_124, %parallel_loop3A_246 : i32
        %parallel_loop3A_248 = arith.constant 6 : i32
        %parallel_loop3A_249 = arith.index_cast %parallel_loop3A_122 : i32 to index
        %parallel_loop3A_250 = arith.index_cast %parallel_loop3A_248 : i32 to index
        %parallel_loop3A_251 = arith.index_cast %parallel_loop3A_247 : i32 to index
        %parallel_loop3A_252 = tpu.vector_load %arg8[%parallel_loop3A_249, %parallel_loop3A_250, %parallel_loop3A_251] {strides = array<i32>} : memref<4x16x512xf32, #tpu.memory_space<vmem>>, vector<16xf32>,
        tpu.vector_store %arg8[%parallel_loop3A_249, %parallel_loop3A_250, %parallel_loop3A_251], %parallel_loop3A_167 {strides = array<i32>} : memref<4x16x512xf32, #tpu.memory_space<vmem>>, vector<16xf32>,
        %parallel_loop3A_253 = arith.constant 16 : i32
        %parallel_loop3A_254 = arith.muli %parallel_loop3A_124, %parallel_loop3A_253 : i32
        %parallel_loop3A_255 = arith.constant 7 : i32
        %parallel_loop3A_256 = arith.index_cast %parallel_loop3A_122 : i32 to index
        %parallel_loop3A_257 = arith.index_cast %parallel_loop3A_255 : i32 to index
        %parallel_loop3A_258 = arith.index_cast %parallel_loop3A_254 : i32 to index
        %parallel_loop3A_259 = tpu.vector_load %arg8[%parallel_loop3A_256, %parallel_loop3A_257, %parallel_loop3A_258] {strides = array<i32>} : memref<4x16x512xf32, #tpu.memory_space<vmem>>, vector<16xf32>,
        tpu.vector_store %arg8[%parallel_loop3A_256, %parallel_loop3A_257, %parallel_loop3A_258], %parallel_loop3A_171 {strides = array<i32>} : memref<4x16x512xf32, #tpu.memory_space<vmem>>, vector<16xf32>,
        %parallel_loop3A_260 = arith.constant 16 : i32
        %parallel_loop3A_261 = arith.muli %parallel_loop3A_124, %parallel_loop3A_260 : i32
        %parallel_loop3A_262 = arith.constant 8 : i32
        %parallel_loop3A_263 = arith.index_cast %parallel_loop3A_122 : i32 to index
        %parallel_loop3A_264 = arith.index_cast %parallel_loop3A_262 : i32 to index
        %parallel_loop3A_265 = arith.index_cast %parallel_loop3A_261 : i32 to index
        %parallel_loop3A_266 = tpu.vector_load %arg8[%parallel_loop3A_263, %parallel_loop3A_264, %parallel_loop3A_265] {strides = array<i32>} : memref<4x16x512xf32, #tpu.memory_space<vmem>>, vector<16xf32>,
        tpu.vector_store %arg8[%parallel_loop3A_263, %parallel_loop3A_264, %parallel_loop3A_265], %parallel_loop3A_175 {strides = array<i32>} : memref<4x16x512xf32, #tpu.memory_space<vmem>>, vector<16xf32>,
        %parallel_loop3A_267 = arith.constant 16 : i32
        %parallel_loop3A_268 = arith.muli %parallel_loop3A_124, %parallel_loop3A_267 : i32
        %parallel_loop3A_269 = arith.constant 9 : i32
        %parallel_loop3A_270 = arith.index_cast %parallel_loop3A_122 : i32 to index
        %parallel_loop3A_271 = arith.index_cast %parallel_loop3A_269 : i32 to index
        %parallel_loop3A_272 = arith.index_cast %parallel_loop3A_268 : i32 to index
        %parallel_loop3A_273 = tpu.vector_load %arg8[%parallel_loop3A_270, %parallel_loop3A_271, %parallel_loop3A_272] {strides = array<i32>} : memref<4x16x512xf32, #tpu.memory_space<vmem>>, vector<16xf32>,
        tpu.vector_store %arg8[%parallel_loop3A_270, %parallel_loop3A_271, %parallel_loop3A_272], %parallel_loop3A_179 {strides = array<i32>} : memref<4x16x512xf32, #tpu.memory_space<vmem>>, vector<16xf32>,
        %parallel_loop3A_274 = arith.constant 16 : i32
        %parallel_loop3A_275 = arith.muli %parallel_loop3A_124, %parallel_loop3A_274 : i32
        %parallel_loop3A_276 = arith.constant 10 : i32
        %parallel_loop3A_277 = arith.index_cast %parallel_loop3A_122 : i32 to index
        %parallel_loop3A_278 = arith.index_cast %parallel_loop3A_276 : i32 to index
        %parallel_loop3A_279 = arith.index_cast %parallel_loop3A_275 : i32 to index
        %parallel_loop3A_280 = tpu.vector_load %arg8[%parallel_loop3A_277, %parallel_loop3A_278, %parallel_loop3A_279] {strides = array<i32>} : memref<4x16x512xf32, #tpu.memory_space<vmem>>, vector<16xf32>,
        tpu.vector_store %arg8[%parallel_loop3A_277, %parallel_loop3A_278, %parallel_loop3A_279], %parallel_loop3A_183 {strides = array<i32>} : memref<4x16x512xf32, #tpu.memory_space<vmem>>, vector<16xf32>,
        %parallel_loop3A_281 = arith.constant 16 : i32
        %parallel_loop3A_282 = arith.muli %parallel_loop3A_124, %parallel_loop3A_281 : i32
        %parallel_loop3A_283 = arith.constant 11 : i32
        %parallel_loop3A_284 = arith.index_cast %parallel_loop3A_122 : i32 to index
        %parallel_loop3A_285 = arith.index_cast %parallel_loop3A_283 : i32 to index
        %parallel_loop3A_286 = arith.index_cast %parallel_loop3A_282 : i32 to index
        %parallel_loop3A_287 = tpu.vector_load %arg8[%parallel_loop3A_284, %parallel_loop3A_285, %parallel_loop3A_286] {strides = array<i32>} : memref<4x16x512xf32, #tpu.memory_space<vmem>>, vector<16xf32>,
        tpu.vector_store %arg8[%parallel_loop3A_284, %parallel_loop3A_285, %parallel_loop3A_286], %parallel_loop3A_187 {strides = array<i32>} : memref<4x16x512xf32, #tpu.memory_space<vmem>>, vector<16xf32>,
        %parallel_loop3A_288 = arith.constant 16 : i32
        %parallel_loop3A_289 = arith.muli %parallel_loop3A_124, %parallel_loop3A_288 : i32
        %parallel_loop3A_290 = arith.constant 12 : i32
        %parallel_loop3A_291 = arith.index_cast %parallel_loop3A_122 : i32 to index
        %parallel_loop3A_292 = arith.index_cast %parallel_loop3A_290 : i32 to index
        %parallel_loop3A_293 = arith.index_cast %parallel_loop3A_289 : i32 to index
        %parallel_loop3A_294 = tpu.vector_load %arg8[%parallel_loop3A_291, %parallel_loop3A_292, %parallel_loop3A_293] {strides = array<i32>} : memref<4x16x512xf32, #tpu.memory_space<vmem>>, vector<16xf32>,
        tpu.vector_store %arg8[%parallel_loop3A_291, %parallel_loop3A_292, %parallel_loop3A_293], %parallel_loop3A_191 {strides = array<i32>} : memref<4x16x512xf32, #tpu.memory_space<vmem>>, vector<16xf32>,
        %parallel_loop3A_295 = arith.constant 16 : i32
        %parallel_loop3A_296 = arith.muli %parallel_loop3A_124, %parallel_loop3A_295 : i32
        %parallel_loop3A_297 = arith.constant 13 : i32
        %parallel_loop3A_298 = arith.index_cast %parallel_loop3A_122 : i32 to index
        %parallel_loop3A_299 = arith.index_cast %parallel_loop3A_297 : i32 to index
        %parallel_loop3A_300 = arith.index_cast %parallel_loop3A_296 : i32 to index
        %parallel_loop3A_301 = tpu.vector_load %arg8[%parallel_loop3A_298, %parallel_loop3A_299, %parallel_loop3A_300] {strides = array<i32>} : memref<4x16x512xf32, #tpu.memory_space<vmem>>, vector<16xf32>,
        tpu.vector_store %arg8[%parallel_loop3A_298, %parallel_loop3A_299, %parallel_loop3A_300], %parallel_loop3A_195 {strides = array<i32>} : memref<4x16x512xf32, #tpu.memory_space<vmem>>, vector<16xf32>,
        %parallel_loop3A_302 = arith.constant 16 : i32
        %parallel_loop3A_303 = arith.muli %parallel_loop3A_124, %parallel_loop3A_302 : i32
        %parallel_loop3A_304 = arith.constant 14 : i32
        %parallel_loop3A_305 = arith.index_cast %parallel_loop3A_122 : i32 to index
        %parallel_loop3A_306 = arith.index_cast %parallel_loop3A_304 : i32 to index
        %parallel_loop3A_307 = arith.index_cast %parallel_loop3A_303 : i32 to index
        %parallel_loop3A_308 = tpu.vector_load %arg8[%parallel_loop3A_305, %parallel_loop3A_306, %parallel_loop3A_307] {strides = array<i32>} : memref<4x16x512xf32, #tpu.memory_space<vmem>>, vector<16xf32>,
        tpu.vector_store %arg8[%parallel_loop3A_305, %parallel_loop3A_306, %parallel_loop3A_307], %parallel_loop3A_199 {strides = array<i32>} : memref<4x16x512xf32, #tpu.memory_space<vmem>>, vector<16xf32>,
        %parallel_loop3A_309 = arith.constant 16 : i32
        %parallel_loop3A_310 = arith.muli %parallel_loop3A_124, %parallel_loop3A_309 : i32
        %parallel_loop3A_311 = arith.constant 15 : i32
        %parallel_loop3A_312 = arith.index_cast %parallel_loop3A_122 : i32 to index
        %parallel_loop3A_313 = arith.index_cast %parallel_loop3A_311 : i32 to index
        %parallel_loop3A_314 = arith.index_cast %parallel_loop3A_310 : i32 to index
        %parallel_loop3A_315 = tpu.vector_load %arg8[%parallel_loop3A_312, %parallel_loop3A_313, %parallel_loop3A_314] {strides = array<i32>} : memref<4x16x512xf32, #tpu.memory_space<vmem>>, vector<16xf32>,
        tpu.vector_store %arg8[%parallel_loop3A_312, %parallel_loop3A_313, %parallel_loop3A_314], %parallel_loop3A_203 {strides = array<i32>} : memref<4x16x512xf32, #tpu.memory_space<vmem>>, vector<16xf32>,
      } {sc.loop_unroll_factor = 2 : i64, sc.parallel_access}
      %mul3A_107 = arith.constant 4 : i32
      %mul3A_108 = arith.muli %add3A_93, %mul3A_107 : i32
      %dma_start3A_109 = arith.constant 0 : i32
      %dma_start3A_110 = tpu.memref_slice %arg4[%mul3A_108, %dma_start3A_109, %mul3A_4] : memref<200x16x16384xf32, #tpu.memory_space<hbm>> -> memref<4x16x512xf32, #tpu.memory_space<hbm>>
      %dma_start3A_111 = arith.constant 0 : i32
      %dma_start3A_112 = tpu.memref_slice %arg4[%mul3A_108, %dma_start3A_111, %mul3A_4] : memref<200x16x16384xf32, #tpu.memory_space<hbm>> -> memref<4x16x512xf32, #tpu.memory_space<hbm>>
      tpu.enqueue_dma source(%arg8 : memref<4x16x512xf32, #tpu.memory_space<vmem>>) target(%dma_start3A_112 : memref<4x16x512xf32, #tpu.memory_space<hbm>>) target_semaphore(%arg12 : memref<!tpu.dma_semaphore, #tpu.memory_space<semaphore_mem>>)
      %add3A_113 = arith.constant 2 : i32
      %add3A_114 = arith.addi %add3A_93, %add3A_113 : i32
      %lt3A_115 = arith.constant 50 : i32
      %lt3A_116 = arith.cmpi slt, %add3A_114, %lt3A_115 : i32
      %convert_element_type3A_117 = arith.extui %lt3A_116 : i1 to i32
      %cond3A_118 = arith.constant 0 : i32
      %cond3A_119 = arith.cmpi ne, %convert_element_type3A_117, %cond3A_118 : i32
      scf.if %cond3A_119 {
        %add3A_120 = arith.constant 2 : i32
        %add3A_121 = arith.addi %add3A_93, %add3A_120 : i32
        %mul3A_122 = arith.constant 4 : i32
        %mul3A_123 = arith.muli %add3A_121, %mul3A_122 : i32
        %dma_start3A_124 = tpu.memref_slice %arg2[%mul3A_123, %mul3A_4] : memref<200x16384xf32, #tpu.memory_space<hbm>> -> memref<4x512xf32, #tpu.memory_space<hbm>>
        %dma_start3A_125 = tpu.memref_slice %arg2[%mul3A_123, %mul3A_4] : memref<200x16384xf32, #tpu.memory_space<hbm>> -> memref<4x512xf32, #tpu.memory_space<hbm>>
        tpu.enqueue_dma source(%dma_start3A_125 : memref<4x512xf32, #tpu.memory_space<hbm>>) target(%arg6 : memref<4x512xf32, #tpu.memory_space<vmem>>) target_semaphore(%arg11 : memref<!tpu.dma_semaphore, #tpu.memory_space<semaphore_mem>>)
      } else {
      }
    }
    %scan3A_49 = arith.constant 24 : i32
    %dma_wait3A_50 = arith.constant 0 : i32
    %dma_wait3A_51 = arith.constant 0 : i32
    %dma_wait3A_52 = tpu.memref_slice %arg4[%dma_wait3A_50, %dma_wait3A_51, %mul3A_4] : memref<200x16x16384xf32, #tpu.memory_space<hbm>> -> memref<4x16x512xf32, #tpu.memory_space<hbm>>
    %dma_wait3A_53 = arith.constant 0 : i32
    %dma_wait3A_54 = arith.constant 0 : i32
    %dma_wait3A_55 = tpu.memref_slice %arg4[%dma_wait3A_53, %dma_wait3A_54, %mul3A_4] : memref<200x16x16384xf32, #tpu.memory_space<hbm>> -> memref<4x16x512xf32, #tpu.memory_space<hbm>>
    tpu.wait_dma2 semaphore(%arg12 : memref<!tpu.dma_semaphore, #tpu.memory_space<semaphore_mem>>) src(%arg7 : memref<4x16x512xf32, #tpu.memory_space<vmem>>) dst(%dma_wait3A_55 : memref<4x16x512xf32, #tpu.memory_space<hbm>>)
    %dma_wait3A_56 = arith.constant 0 : i32
    %dma_wait3A_57 = arith.constant 0 : i32
    %dma_wait3A_58 = tpu.memref_slice %arg4[%dma_wait3A_56, %dma_wait3A_57, %mul3A_4] : memref<200x16x16384xf32, #tpu.memory_space<hbm>> -> memref<4x16x512xf32, #tpu.memory_space<hbm>>
    %dma_wait3A_59 = arith.constant 0 : i32
    %dma_wait3A_60 = arith.constant 0 : i32
    %dma_wait3A_61 = tpu.memref_slice %arg4[%dma_wait3A_59, %dma_wait3A_60, %mul3A_4] : memref<200x16x16384xf32, #tpu.memory_space<hbm>> -> memref<4x16x512xf32, #tpu.memory_space<hbm>>
    tpu.wait_dma2 semaphore(%arg12 : memref<!tpu.dma_semaphore, #tpu.memory_space<semaphore_mem>>) src(%arg8 : memref<4x16x512xf32, #tpu.memory_space<vmem>>) dst(%dma_wait3A_61 : memref<4x16x512xf32, #tpu.memory_space<hbm>>)
    return
  }
}

</mosaic_0001>

<sc_bundles>
// kernel: kernel.3.cloned.1.call-start
scs
__scs_entry_jumppad:
0x0: {  	(pc) =	sbr.rel $0x88, $3  }
0x1: {  	(tag) =	ssettag $0x0;
	lr =	simm.s32 $0x1  }
0x2: {  	[smem:$0x3F9F] =	sst lr;
	_ =	strace $0xD0000000  }
0x3: {  	_ = 	snop  }
0x4: {  	_ = 	snop  }
0x5: {  	_ = 	snop  }
0x6: {  	_ = 	snop  }
0x7: {  	_ = 	snop  }
__scs_overlays_trampoline_lowered:
0x8: {  	[smem:$0x3FAE] =	sst s0  }
0x9: {  	[smem:$0x3FAF] =	sst s1  }
0xa: {  	[smem:$0x3FB0] =	sst s2  }
0xb: {  	[smem:$0x3FB1] =	sst s3  }
0xc: {  	[smem:$0x3FB2] =	sst s4  }
0xd: {  	[smem:$0x3FB3] =	sst s5  }
0xe: {  	[smem:$0x3FB4] =	sst s6  }
0xf: {  	[smem:$0x3FB5] =	sst s7  }
0x10: {  	[smem:$0x3FB6] =	sst s8  }
0x11: {  	[smem:$0x3FB7] =	sst s9;
	s0 =	simm.s32 @!p0 $0x0  }
0x12: {  	s1 =	sld [smem:$0x3F9D];
	s0 =	simm.s32 @p0 $0x1  }
0x13: {  	[smem:$0x3FB8] =	sst s0;
	s0 =	simm.s32 @!p1 $0x0  }
0x14: {  	s2 =	sld [smem:$0x3F9C];
	s0 =	simm.s32 @p1 $0x1  }
0x15: {  	[smem:$0x3FB9] =	sst s0;
	s0 =	simm.s32 @!p2 $0x0  }
0x16: {  	s3 =	sld [smem:$0x3FDB];
	s0 =	simm.s32 @p2 $0x1  }
0x17: {  	s4 =	simm.s32 $0x1BF5;
	[smem:$0x3FBB] =	sst s0  }
0x18: {  	s0 =	sld [smem:$0x3F9E];
	_ =	swait.ge [sflag:s4], $0x0  }
0x19: {  	s7 =	sld [smem:$0x3F9F]  }
0x1a: {  	s8 =	sadd.s32 $0xFFFFE003, lr  }
0x1b: {  	s9 =	sadd.s32 $0xFFFFFEF7, lr;
	s5 =	simm.s32 $0xFFFFFFFF;
	p2 =	slt.u32 s8, $0xFFFFF086  }
0x1c: {  	p1 =	slt.u32 s9, $0xF7A;
	s5 =	simm.s32 @!p2 $0x0  }
0x1d: {  	s5 =	simm.s32 @p1 $0x1;
	p0 =	seq.s32 s7, s2  }
0x1e: {  	s7 =	smul.u32 @!p0 $0xF7A, s2;
	p2 =	seq.s32 @!p0 s5, $0x0  }
0x1f: {  	s9 =	smul.u32 $0xF7A, s1;
	s8 =	simm.s32 @!p0 $0x1BF5;
	p2 =	por !p2, p0  }
0x20: {  	[sflag:s8] =	ssyncset.s32 @!p0 $0xFFFFF086;
	s6 =	sadd.s32 @!p0 s3, s7;
	s7 =	simm.s32 @!p0 $0x108  }
0x21: {  	s3 =	sadd.s32 s3, s9;
	s6 =	sadd.s32 @!p0 $0x88, s6;
	s7 =	simm.s32 @p2 $0x1082  }
0x22: {  	[simem:s7], [sflag:s8] =	dma.local @!p0 [hbm:s6], $0xF7A  }
0x23: {  	s9 =	sor.u32 $0xD0000000, s2;
	s6 =	simm.s32 $0x108;
	_ =	swait.ge @!p0 [sflag:s8], $0x0  }
0x24: {  	s3 =	sadd.s32 $0x88, s3;
	s6 =	simm.s32 @!p1 $0x1082;
	[sflag:s4] =	ssyncset.s32 $0xFFFFF086  }
0x25: {  	[simem:s6], [sflag:s4] =	dma.local [hbm:s3], $0xF7A  }
0x26: {  	[smem:$0x3F9F] =	sst s1;
	(tag) =	ssettag s2;
	_ =	strace s9  }
0x27: {  	s1 =	sld [smem:$0x3FAF]  }
0x28: {  	s2 =	sld [smem:$0x3FB0]  }
0x29: {  	s4 =	sld [smem:$0x3FB2]  }
0x2a: {  	p0 =	seq.s32 s5, $0x0;
	s5 =	sld [smem:$0x3FB3]  }
0x2b: {  	s6 =	sld [smem:$0x3FB4]  }
0x2c: {  	s7 =	sld [smem:$0x3FB5]  }
0x2d: {  	s3 =	simm.s32 $0x108;
	s8 =	sld [smem:$0x3FB6]  }
0x2e: {  	s3 =	simm.s32 @!p0 $0x1082;
	s9 =	sld [smem:$0x3FB7]  }
0x2f: {  	lr =	sadd.s32 s0, s3;
	s0 =	sld [smem:$0x3FAE]  }
0x30: {  	s3 =	sld [smem:$0x3FB1]  }
0x31: {  	[smem:$0x3FBA] =	sst s10  }
0x32: {  	s10 =	sld [smem:$0x3FB8];
	_ =	sdelay $0x3  }
0x33: {  	p0 =	seq.s32 s10, $0x1;
	s10 =	sld [smem:$0x3FBA];
	_ =	sdelay $0x3  }
0x34: {  	[smem:$0x3FBA] =	sst s10  }
0x35: {  	s10 =	sld [smem:$0x3FB9];
	_ =	sdelay $0x3  }
0x36: {  	p1 =	seq.s32 s10, $0x1;
	s10 =	sld [smem:$0x3FBA];
	_ =	sdelay $0x3  }
0x37: {  	[smem:$0x3FBA] =	sst s10  }
0x38: {  	s10 =	sld [smem:$0x3FBB]  }
0x39: {  	_ = 	snop;
	(pc) =	sbr.ind lr, $3  }
0x3a: {  	_ = 	snop  }
0x3b: {  	_ = 	snop  }
0x3c: {  	p2 =	seq.s32 s10, $0x1;
	s10 =	sld [smem:$0x3FBA]  }
0x3d: {  	_ =	shalt  }
0x3e: {  	_ =	shalt  }
0x3f: {  	_ =	shalt  }
0x40: {  	_ =	shalt  }
0x41: {  	_ =	shalt  }
0x42: {  	_ =	shalt  }
0x43: {  	_ =	shalt  }
0x44: {  	_ =	shalt  }
0x45: {  	_ =	shalt  }
0x46: {  	_ =	shalt  }
0x47: {  	_ =	shalt  }
0x48: {  	_ =	shalt  }
0x49: {  	_ =	shalt  }
0x4a: {  	_ =	shalt  }
0x4b: {  	_ =	shalt  }
0x4c: {  	_ =	shalt  }
0x4d: {  	_ =	shalt  }
0x4e: {  	_ =	shalt  }
0x4f: {  	_ =	shalt  }
0x50: {  	_ =	shalt  }
0x51: {  	_ =	shalt  }
0x52: {  	_ =	shalt  }
0x53: {  	_ =	shalt  }
0x54: {  	_ =	shalt  }
0x55: {  	_ =	shalt  }
0x56: {  	_ =	shalt  }
0x57: {  	_ =	shalt  }
0x58: {  	_ =	shalt  }
0x59: {  	_ =	shalt  }
0x5a: {  	_ =	shalt  }
0x5b: {  	_ =	shalt  }
0x5c: {  	_ =	shalt  }
0x5d: {  	_ =	shalt  }
0x5e: {  	_ =	shalt  }
0x5f: {  	_ =	shalt  }
0x60: {  	_ =	shalt  }
0x61: {  	_ =	shalt  }
0x62: {  	_ =	shalt  }
0x63: {  	_ =	shalt  }
0x64: {  	_ =	shalt  }
0x65: {  	_ =	shalt  }
0x66: {  	_ =	shalt  }
0x67: {  	_ =	shalt  }
0x68: {  	_ =	shalt  }
0x69: {  	_ =	shalt  }
0x6a: {  	_ =	shalt  }
0x6b: {  	_ =	shalt  }
0x6c: {  	_ =	shalt  }
0x6d: {  	_ =	shalt  }
0x6e: {  	_ =	shalt  }
0x6f: {  	_ =	shalt  }
0x70: {  	_ =	shalt  }
0x71: {  	_ =	shalt  }
0x72: {  	_ =	shalt  }
0x73: {  	_ =	shalt  }
0x74: {  	_ =	shalt  }
0x75: {  	_ =	shalt  }
0x76: {  	_ =	shalt  }
0x77: {  	_ =	shalt  }
0x78: {  	_ =	shalt  }
0x79: {  	_ =	shalt  }
0x7a: {  	_ =	shalt  }
0x7b: {  	_ =	shalt  }
0x7c: {  	_ =	shalt  }
0x7d: {  	_ =	shalt  }
0x7e: {  	_ =	shalt  }
0x7f: {  	_ =	shalt  }
0x80: {  	_ =	shalt  }
0x81: {  	_ =	shalt  }
0x82: {  	_ =	shalt  }
0x83: {  	_ =	shalt  }
0x84: {  	_ =	shalt  }
0x85: {  	_ =	shalt  }
0x86: {  	_ =	shalt  }
0x87: {  	_ =	shalt  }
.Lfunc_end0:
.L_simem_size_0:
called_computation_lowered:
.L_overlay_start_0:
0x88: {  	s2 =	sld [smem:$0x3FD9]  }
0x89: {  	s3 =	sld [smem:$0x3FFE];
	_ =	sdelay $0x1  }
0x8a: {  	s1 =	srdreg.scid  }
0x8b: {  	s0 =	sand.u32 $0x1, s1  }
0x8c: {  	s17 =	sshll.u32 s0, $0xA;
	s2 =	sadd.s32 s3, s2  }
0x8d: {  	s2 =	sadd.s32 s2, s17  }
0x8e: {  	[smem:$0x3FC6] =	sst s2  }
0x8f: {  	_ = 	snop  }
0x90: {  	s2 =	sld [smem:$0x3FC9]  }
0x91: {  	s18 =	sld [smem:$0x3FD0];
	(tm) =	ssettm $0x1  }
0x92: {  	s4 =	sld [smem:$0x3FFB];
	_ =	sdelay $0x3  }
0x93: {  	_ =	strace s4  }
0x94: {  	s4 =	sld [smem:$0x3FFC];
	_ =	sdelay $0x3  }
0x95: {  	_ =	strace s4  }
0x96: {  	s4 =	sld [smem:$0x3FFD];
	_ =	sdelay $0x3  }
0x97: {  	_ =	strace s4  }
0x98: {  	_ =	strace $0x8FFFFFFF  }
0x99: {  	s19 =	sld [smem:$0x3FDB];
	_ =	sdelay $0x1  }
0x9a: {  	s5 =	simm.s32 $_scs_section_size  }
0x9b: {  	s6 =	simm.s32 $_size__tile_overlayer_lowered;
	s7 =	simm.s32 $_tile_overlayer_lowered  }
0x9c: {  	s22 =	simm.s32 $0x1BFF;
	s21 =	sshll.u32 s7, $0x1;
	s4 =	sadd.s32 s5, s19  }
0x9d: {  	s8 =	simm.s32 $0x0;
	s20 =	sshll.u32 s6, $0x1;
	s6 =	sadd.s32 s21, s4  }
0x9e: {  	[timem:s8], [sflag:s22] =	dma.local [hbm:s6], s20  }
0x9f: {  	_ =	swait.ge [sflag:s22], s20  }
0xa0: {  	s5 =	ssub.s32 $0x0, s20;
	[sflag:s22] =	ssyncset.done $0x0  }
0xa1: {  	[sflag:s22] =	ssyncadd.s32 s5;
	_ =	sdelay $0x1  }
0xa2: {  	s23 =	simm.s32 $0x1B8B  }
0xa3: {  	_ =	swait.ge [sflag:s23], $0x1  }
0xa4: {  	[sflag:s23] =	ssyncset.done $0x0  }
0xa5: {  	s25 =	simm.s32 $0x1B8E;
	s24 =	sld [smem:$0x3FFE];
	[sflag:s23] =	ssyncadd.s32 $0xFFFFFFFF  }
0xa6: {  	s26 =	simm.s32 $execute0_lowered;
	[smem:$0x3FD2] =	sst s25  }
0xa7: {  	s6 =	sshll.u32 s26, $0x1;
	_ =	strace $0x80000046;
	[dreg:$0x1] =	wrdreg $0xFFFFFFFF  }
0xa8: {  	s28 =	simm.s32 $_size_execute0_lowered;
	s4 =	sadd.s32 s4, s6;
	[dreg:$0x0] =	wrdreg $0x0  }
0xa9: {  	s6 =	sshll.u32 s28, $0x1;
	[dreg:$0x2] =	wrdreg s4  }
0xaa: {  	[dreg:$0x3] =	wrdreg s6  }
0xab: {  	[dreg:$0x4] =	wrdreg $0xC0  }
0xac: {  	_ =	task [dreg:s8], $0x5FFFF  }
0xad: {  	[dreg:$0x1] =	wrdreg $0xFFFFFFFF  }
0xae: {  	[dreg:$0x0] =	wrdreg $0x60  }
0xaf: {  	[dreg:$0x2] =	wrdreg s2  }
0xb0: {  	[dreg:$0x3] =	wrdreg s24  }
0xb1: {  	[dreg:$0x4] =	wrdreg s18  }
0xb2: {  	[dreg:$0x5] =	wrdreg $0x9  }
0xb3: {  	_ =	task.clear_ibuf [dreg:s8], $0x6FFFF;
	_ =	strace $0x90000046  }
0xb4: {  	s29 =	simm.s32 $0x9;
	_ =	strace $0x80000048  }
0xb5: {  	_ =	swait.ge [sflag:s29], $0x1  }
0xb6: {  	[sflag:s29] =	ssyncadd.s32 $0xFFFFFFFF  }
0xb7: {  	_ =	strace $0x90000048  }
0xb8: {  	_ =	sfence  }
0xb9: {  	s30 =	sld [smem:$0x0];
	_ =	sdelay $0x2  }
0xba: {  	s31 =	sshll.u32 s1, $0xD;
	s1 =	sshrl.u32 s1, $0x2  }
0xbb: {  	s3 =	sand.u32 $0x4000, s31;
	s1 =	sadd.s32 s1, s30  }
0xbc: {  	s0 =	sor.u32 s3, s0;
	s1 =	sshll.u32 s1, $0x11  }
0xbd: {  	s0 =	sor.u32 s1, s0  }
0xbe: {  	s0 =	sadd.s32 $0x8F2B, s0  }
0xbf: {  	[sflag:s0] =	ssyncadd.remote.s32 $0x1  }
0xc0: {  	_ =	sfence.sel $0xFFFF  }
0xc1: {  	[dreg:$0x0] =	wrdreg $0xFFFFFFFF;
	(pc) =	sbr.abs _section_cstart, $3  }
0xc2: {  	[dreg:$0x1] =	wrdreg $0xFFFFFFFF  }
0xc3: {  	_ =	task.clear_ibuf [dreg:s8], $0x2FFFF;
	_ =	strace $0x9FFFFFFF  }
0xc4: {  	(tm) =	ssettm $0x7FFFFFFF  }
0xc5: {  	_ =	shalt  }
tec
execute0_lowered:
.L_overlay_start_1:
0x0: {  	(tag) =	ssettag $0x1  }
0x1: {  	s1 =	rddreg [dreg:$0x0]  }
0x2: {  	s0 =	rddreg [dreg:$0x1]  }
0x3: {  	s2 =	rddreg [dreg:$0x2];
	s3 =	simm.s32 $0x0  }
0x4: {  	s23 =	srdreg.scid;
	s5 =	stileid.u32;
	s19 =	simm.s32 $0x200  }
0x5: {  	s20 =	simm.s32 $0x400;
	s21 =	simm.s32 $0x800;
	s22 =	simm.s32 $0x1  }
0x6: {  	[smem:$0x7FF] =	sst s3;
	s3 =	sand.u32 $0x1, s23;
	s5 =	sshll.u32 s5, $0xD  }
0x7: {  	v0 =	vimm.f32 $1.000000050e-03;
	_ =	strace $0x80000047;
	s4 =	ssub.s32 $0x2, s3;
	s3 =	sshll.u32 s3, $0xC  }
0x8: {  	s28 =	simm.s32 $0x2;
	s0 =	sadd.s32 $0x400, s0;
	(erf) = vrcp.f32 v0;
	s6 =	sor.u32 s3, s5  }
0x9: {  	s7 =	sadd.s32 $0x40, s1;
	s10 =	sadd.s32 $0x20000, s2;
	s3 =	sshrl.u32 s6, $0x3  }
0xa: {  	s23 =	simm.s32 $0x11000;
	[dreg:$0x4] =	wrdreg s0;
	s26 =	sadd.s32 s3, s7  }
0xb: {  	s24 =	sshrl.u32 s4, $0x1;
	s29 =	sadd.s32 s2, s3;
	[dreg:$0x6] =	wrdreg s26  }
0xc: {  	s25 =	sadd.s32 s1, s3;
	s3 =	sadd.s32 s3, s10;
	[dreg:$0x7] =	wrdreg s29  }
.Ltmp0:
0xd: {  	s0 =	ssub.s32 s4, s24;
	[dreg:$0x9] =	wrdreg s3;
	(pc) =	sbr.rel .LBB2_1-.Ltmp0, $4  }
0xe: {  	s15 =	sor.u32 $0x20000, s6;
	s0 =	smax.u32 s0, $0x1;
	[dreg:$0x5] =	wrdreg s25  }
0xf: {  	s24 =	simm.s32 $0x20000;
	s30 =	sadd.s32 $0x4000, s25;
	[dreg:$0xb] =	wrdreg s0  }
0x10: {  	s31 =	sadd.s32 $0x4040, s25;
	s25 =	simm.s32 $0x1000;
	[dreg:$0x8] =	wrdreg s30  }
0x11: {  	s26 =	simm.s32 $0x9000;
	s3 =	simm.s32 $0x0;
	[dreg:$0xa] =	wrdreg s31;
	v0 =	vpop (erf)  }
.LBB2_14:
0x12: {  	_ =	swait.ge [sflag:s28], $0x8000  }
0x13: {  	[sflag:s28] =	ssyncset.done $0x0  }
0x14: {  	[sflag:s28] =	ssyncadd.s32 $0xFFFF8000  }
0x15: {  	_ =	swait.ge [sflag:s28], $0x8000  }
0x16: {  	s3 =	rddreg [dreg:$0xc]  }
0x17: {  	s0 =	rddreg [dreg:$0xb];
	s3 =	sadd.s32 $0x1, s3  }
0x18: {  	p0 =	sne.s32 s3, s0  }
.Ltmp1:
0x19: {  	_ = 	snop;
	(pc) =	sbr.rel @!p0 .LBB2_15-.Ltmp1, $3  }
0x1a: {  	_ =	sdelay $0x1  }
0x1b: {  	[sflag:s28] =	ssyncset.done $0x0  }
0x1c: {  	[sflag:s28] =	ssyncadd.s32 $0xFFFF8000  }
.LBB2_1:
0x1d: {  	[dreg:$0xc] =	wrdreg s3;
	s0 =	simm.s32 $0x0  }
0x1e: {  	s29 =	rddreg [dreg:$0x4];
	s4 =	simm.s32 $0x15280;
	s30 =	simm.s32 $0x3  }
0x1f: {  	[tilespmem:s4], [sflag:$0x3] =	stream.linear.gather [hbm4b:s29+s0], $0x3E80, $0x38;
	[tilespmem:$0x19100] =	vst v63  }
0x20: {  	_ =	swait.ge [sflag:s30], $0x3E80  }
0x21: {  	[sflag:s30] =	ssyncset.done $0x0  }
0x22: {  	s31 =	simm.s32 $0x152A0;
	[sflag:s30] =	ssyncadd.s32 $0xFFFFC180  }
0x23: {  	v4 =	vld [tilespmem:s31+$0x0];
	_ =	sdelay $0x1  }
0x24: {  	v1 =	vld [tilespmem:s31+$0xFFFFFFE0]  }
0x25: {  	v2 =	vld [tilespmem:s31+$0xFFFFFFF0]  }
0x26: {  	s0 =	simm.s32 $0x11022;
	v3 =	vld [tilespmem:s31+$0x10]  }
0x27: {  	s3 =	simm.s32 $0x0;
	s5 =	simm.s32 $0x11022;
	s4 =	simm.s32 $0x152E0;
	[tilespmem:s0+$0x0] =	vst v4  }
.LBB2_2:
0x28: {  	s3 =	sadd.s32 $0x4, s3  }
0x29: {  	v4 =	vld [tilespmem:s4+$0x0];
	[tilespmem:s0+$0xFFFFFFDE] =	vst v1;
	s5 =	sadd.s32 $0x44, s5;
	p0 =	slt.u32 s3, $0x3E4  }
.Ltmp2:
0x2a: {  	v1 =	vld [tilespmem:s4+$0xFFFFFFE0];
	[tilespmem:s0+$0xFFFFFFEF] =	vst v2;
	(pc) =	sbr.rel @p0 .LBB2_2-.Ltmp2, $3  }
0x2b: {  	v2 =	vld [tilespmem:s4+$0xFFFFFFF0];
	[tilespmem:s0+$0x11] =	vst v3;
	s0 =	smov.u32 s5  }
0x2c: {  	v3 =	vld [tilespmem:s4+$0x10];
	_ =	sdelay $0x1  }
0x2d: {  	s4 =	sadd.s32 $0x40, s4;
	[tilespmem:s5+$0x0] =	vst v4  }
0x2e: {  	[tilespmem:s0+$0xFFFFFFDE] =	vst v1  }
0x2f: {  	[tilespmem:s0+$0xFFFFFFEF] =	vst v2  }
0x30: {  	s11 =	simm.s32 $0x0;
	[tilespmem:s0+$0x11] =	vst v3  }
0x31: {  	s13 =	simm.s32 $0x0;
	s4 =	simm.s32 $0x0;
	s3 =	rddreg [dreg:$0x5]  }
0x32: {  	[tilespmem:s11], [sflag:$0x1] =	stream.strided.gather [hbm4b:s3+s19], $0x800, s20, s19, $0x38;
	[tilespmem:$0x19100] =	vst v63  }
0x33: {  	s5 =	sand.u32 $0x60, s11;
	s12 =	rddreg [dreg:$0x6];
	s3 =	sand.u32 $0x3, s13  }
0x34: {  	[tilespmem:s21], [sflag:$0x1] =	stream.strided.gather [hbm4b:s12+s19], $0x800, s20, s19, $0x38;
	[tilespmem:$0x19100] =	vst v63  }
0x35: {  	s4 =	sand.u32 $0x3FFFFF80, s4;
	s14 =	sshll.u32 s3, $0x9;
	_ =	swait.ge [sflag:s22], $0x800  }
0x36: {  	s16 =	sor.u32 $0x10, s5;
	s0 =	sadd.s32 s4, s14;
	[sflag:s22] =	ssyncset.done $0x0  }
0x37: {  	s9 =	sor.u32 s16, s0;
	[sflag:s22] =	ssyncadd.s32 $0xFFFFF800  }
0x38: {  	v1 =	vld [tilespmem:s9+$0x0];
	_ =	sdelay $0x4  }
0x39: {  	v1 =	vmul.f32 v1, v0;
	_ =	sdelay $0x1  }
0x3a: {  	v1 =	vtrunc.f32 v1  }
0x3b: {  	v1 =	vcvt.f32.s32 v1;
	_ =	sdelay $0x1  }
0x3c: {  	v1 =	vmul.u32 $0x11, v1;
	_ =	sdelay $0x1  }
0x3d: {  	v2 =	vadd.s32 $0x1, v1  }
0x3e: {  	s0 =	sor.u32 s5, s0;
	v3 =	vadd.s32 $0x2, v1  }
0x3f: {  	v5 =	vld [tilespmem:s0+$0x0];
	v4 =	vadd.s32 $0x3, v1  }
0x40: {  	v6 =	vadd.s32 $0x4, v1  }
0x41: {  	v8 =	vadd.s32 $0x5, v1;
	v7 =	vld.idx.msk [tilespmem:v1+s23+$0x0], $0xffff  }
0x42: {  	v9 =	vadd.s32 $0x6, v1;
	v2 =	vld.idx.msk [tilespmem:v2+s23+$0x0], $0xffff  }
0x43: {  	v10 =	vadd.s32 $0x7, v1;
	v3 =	vld.idx.msk [tilespmem:v3+s23+$0x0], $0xffff  }
0x44: {  	v5 =	vmul.f32 v5, v0;
	v11 =	vadd.s32 $0x8, v1;
	v4 =	vld.idx.msk [tilespmem:v4+s23+$0x0], $0xffff  }
0x45: {  	v12 =	vadd.s32 $0xF, v1;
	v6 =	vld.idx.msk [tilespmem:v6+s23+$0x0], $0xffff  }
0x46: {  	v5 =	vtrunc.f32 v5;
	v13 =	vadd.s32 $0x9, v1;
	v8 =	vld.idx.msk [tilespmem:v8+s23+$0x0], $0xffff  }
0x47: {  	v5 =	vcvt.f32.s32 v5;
	v14 =	vadd.s32 $0xA, v1;
	v9 =	vld.idx.msk [tilespmem:v9+s23+$0x0], $0xffff  }
0x48: {  	v15 =	vadd.s32 $0xB, v1;
	v10 =	vld.idx.msk [tilespmem:v10+s23+$0x0], $0xffff  }
0x49: {  	v5 =	vmul.u32 $0x11, v5;
	v16 =	vadd.s32 $0xC, v1;
	v11 =	vld.idx.msk [tilespmem:v11+s23+$0x0], $0xffff  }
0x4a: {  	v17 =	vadd.s32 $0xD, v1;
	v12 =	vld.idx.msk [tilespmem:v12+s23+$0x0], $0xffff  }
0x4b: {  	v18 =	vadd.s32 $0x1, v5;
	v13 =	vld.idx.msk [tilespmem:v13+s23+$0x0], $0xffff  }
0x4c: {  	v19 =	vadd.s32 $0x2, v5;
	v14 =	vld.idx.msk [tilespmem:v14+s23+$0x0], $0xffff  }
0x4d: {  	s17 =	simm.s32 $0x0;
	s18 =	simm.s32 $0x0;
	v1 =	vadd.s32 $0xE, v1;
	v15 =	vld.idx.msk [tilespmem:v15+s23+$0x0], $0xffff  }
0x4e: {  	s30 =	simm.s32 $0x8;
	s29 =	sand.u32 $0x3, s18;
	s3 =	sshll.u32 s3, $0xA;
	v16 =	vld.idx.msk [tilespmem:v16+s23+$0x0], $0xffff  }
0x4f: {  	s12 =	sshll.u32 s29, $0x9;
	s0 =	sand.u32 $0x3FFFE000, s17;
	s17 =	simm.s32 $0x20;
	v17 =	vld.idx.msk [tilespmem:v17+s23+$0x0], $0xffff  }
0x50: {  	s11 =	sor.u32 s3, s0;
	s0 =	sand.u32 $0x60, s17;
	s3 =	sand.u32 $0x3FFFFF80, s30;
	v20 =	vadd.s32 $0x3, v5;
	v22 =	vld.idx.msk [tilespmem:v18+s23+$0x0], $0xffff  }
0x51: {  	s13 =	sor.u32 $0x1000, s11;
	s12 =	sadd.s32 s3, s12;
	s3 =	sor.u32 $0x10, s0;
	v21 =	vadd.s32 $0x4, v5;
	v23 =	vld.idx.msk [tilespmem:v19+s23+$0x0], $0xffff  }
0x52: {  	s30 =	sor.u32 s16, s13;
	s31 =	sor.u32 s3, s12;
	v18 =	vadd.s32 $0x5, v5;
	v1 =	vld.idx.msk [tilespmem:v1+s23+$0x0], $0xffff  }
0x53: {  	s12 =	sor.u32 s0, s12;
	v19 =	vadd.s32 $0x6, v5;
	[tilespmem:s30+$0x1380] =	vst v12;
	v12 =	vld [tilespmem:s31+$0x0]  }
0x54: {  	v25 =	vadd.s32 $0x8, v5;
	[tilespmem:s30+$0x80] =	vst v2;
	v2 =	vld [tilespmem:s12+$0x0]  }
0x55: {  	v24 =	vadd.s32 $0x7, v5;
	[tilespmem:s30+$0x100] =	vst v3;
	v3 =	vld.idx.msk [tilespmem:v20+s23+$0x0], $0xffff  }
0x56: {  	v20 =	vadd.s32 $0x9, v5;
	[tilespmem:s30+$0x180] =	vst v4;
	v4 =	vld.idx.msk [tilespmem:v21+s23+$0x0], $0xffff  }
0x57: {  	v21 =	vadd.s32 $0xA, v5;
	[tilespmem:s30+$0x200] =	vst v6;
	v6 =	vld.idx.msk [tilespmem:v18+s23+$0x0], $0xffff  }
0x58: {  	v18 =	vadd.s32 $0xB, v5;
	[tilespmem:s30+$0x280] =	vst v8;
	v8 =	vld.idx.msk [tilespmem:v19+s23+$0x0], $0xffff  }
0x59: {  	s11 =	sadd.s32 $0x2000, s11;
	v19 =	vadd.s32 $0xC, v5;
	[tilespmem:s30+$0x380] =	vst v10;
	v10 =	vld.idx.msk [tilespmem:v25+s23+$0x0], $0xffff  }
0x5a: {  	s4 =	sor.u32 s16, s11;
	[tilespmem:s30+$0x300] =	vst v9;
	v25 =	vadd.s32 $0xE, v5;
	v9 =	vmul.f32 v12, v0;
	v12 =	vld.idx.msk [tilespmem:v24+s23+$0x0], $0xffff  }
0x5b: {  	[tilespmem:s4+$0x0] =	vst v11;
	v28 =	vld.idx.msk [tilespmem:v20+s23+$0x0], $0xffff  }
0x5c: {  	v11 =	vadd.s32 $0xF, v5;
	[tilespmem:s30+$0x1080] =	vst v13;
	v29 =	vld.idx.msk [tilespmem:v21+s23+$0x0], $0xffff;
	v9 =	vtrunc.f32 v9  }
0x5d: {  	[tilespmem:s30+$0x1100] =	vst v14;
	v24 =	vadd.s32 $0xD, v5;
	v30 =	vld.idx.msk [tilespmem:v18+s23+$0x0], $0xffff;
	v9 =	vcvt.f32.s32 v9  }
0x5e: {  	[tilespmem:s30+$0x1180] =	vst v15;
	v33 =	vld.idx.msk [tilespmem:v19+s23+$0x0], $0xffff  }
0x5f: {  	[tilespmem:s30+$0x1200] =	vst v16;
	v19 =	vld.idx.msk [tilespmem:v25+s23+$0x0], $0xffff;
	v32 =	vmul.u32 $0x11, v9  }
0x60: {  	[tilespmem:s30+$0x0] =	vst v7;
	v20 =	vld.idx.msk [tilespmem:v5+s23+$0x0], $0xffff  }
0x61: {  	s4 =	sor.u32 s5, s13;
	[tilespmem:s30+$0x1300] =	vst v1;
	v18 =	vld.idx.msk [tilespmem:v11+s23+$0x0], $0xffff;
	v9 =	vadd.s32 $0x1, v32  }
0x62: {  	v36 =	vld.idx.msk [tilespmem:v24+s23+$0x0], $0xffff;
	[tilespmem:s4+$0x80] =	vst v22;
	v1 =	vadd.s32 $0x2, v32  }
0x63: {  	v2 =	vmul.f32 v2, v0;
	[tilespmem:s4+$0x100] =	vst v23;
	v7 =	vadd.s32 $0x3, v32  }
0x64: {  	[tilespmem:s4+$0x180] =	vst v3;
	v5 =	vadd.s32 $0x4, v32  }
0x65: {  	v11 =	vtrunc.f32 v2;
	[tilespmem:s4+$0x200] =	vst v4;
	v13 =	vadd.s32 $0x5, v32;
	v2 =	vld.idx.msk [tilespmem:v32+s23+$0x0], $0xffff  }
0x66: {  	[tilespmem:s4+$0x280] =	vst v6;
	v35 =	vadd.s32 $0x9, v32;
	v21 =	vld.idx.msk [tilespmem:v9+s23+$0x0], $0xffff  }
0x67: {  	[tilespmem:s4+$0x300] =	vst v8;
	v3 =	vadd.s32 $0x7, v32;
	v22 =	vld.idx.msk [tilespmem:v1+s23+$0x0], $0xffff  }
0x68: {  	s5 =	sor.u32 s5, s11;
	v11 =	vcvt.f32.s32 v11;
	[tilespmem:s4+$0x380] =	vst v12;
	v4 =	vadd.s32 $0x8, v32;
	v23 =	vld.idx.msk [tilespmem:v7+s23+$0x0], $0xffff  }
0x69: {  	[tilespmem:s5+$0x0] =	vst v10;
	v31 =	vadd.s32 $0xF, v32;
	v37 =	vadd.s32 $0xA, v32;
	v24 =	vld.idx.msk [tilespmem:v5+s23+$0x0], $0xffff  }
0x6a: {  	v34 =	vadd.s32 $0xB, v32;
	[tilespmem:s4+$0x1200] =	vst v33;
	v33 =	vadd.s32 $0xD, v32;
	v1 =	vmul.u32 $0x11, v11;
	v25 =	vld.idx.msk [tilespmem:v13+s23+$0x0], $0xffff  }
0x6b: {  	[tilespmem:s4+$0x1100] =	vst v29;
	v9 =	vadd.s32 $0x6, v32;
	v29 =	vld.idx.msk [tilespmem:v35+s23+$0x0], $0xffff;
	v35 =	vadd.s32 $0xC, v32;
	v32 =	vadd.s32 $0xE, v32  }
0x6c: {  	[tilespmem:s30+$0x1280] =	vst v17;
	v27 =	vld.idx.msk [tilespmem:v3+s23+$0x0], $0xffff;
	v17 =	vadd.s32 $0x1, v1;
	v16 =	vadd.s32 $0x2, v1;
	v14 =	vadd.s32 $0x3, v1  }
0x6d: {  	[tilespmem:s4+$0x1080] =	vst v28;
	v28 =	vld.idx.msk [tilespmem:v4+s23+$0x0], $0xffff;
	v13 =	vadd.s32 $0x4, v1;
	v15 =	vadd.s32 $0x5, v1;
	v11 =	vadd.s32 $0x6, v1  }
0x6e: {  	v31 =	vld.idx.msk [tilespmem:v31+s23+$0x0], $0xffff;
	v12 =	vadd.s32 $0x7, v1;
	v10 =	vadd.s32 $0x8, v1;
	v7 =	vadd.s32 $0xA, v1  }
0x6f: {  	s31 =	simm.s32 $0x200;
	[tilespmem:s4+$0x1180] =	vst v30;
	v30 =	vld.idx.msk [tilespmem:v37+s23+$0x0], $0xffff;
	v8 =	vadd.s32 $0xB, v1;
	v5 =	vadd.s32 $0xC, v1;
	v6 =	vadd.s32 $0xD, v1  }
0x70: {  	s9 =	sshll.u32 s29, $0xA;
	s11 =	sand.u32 $0x3FFFE000, s31;
	s5 =	simm.s32 $0x2;
	[tilespmem:s4+$0x1280] =	vst v36;
	v4 =	vadd.s32 $0xE, v1;
	v3 =	vadd.s32 $0xF, v1;
	v26 =	vld.idx.msk [tilespmem:v9+s23+$0x0], $0xffff;
	v9 =	vadd.s32 $0x9, v1  }
.LBB2_4:
0x71: {  	s5 =	sadd.s32 $0x2, s5;
	s11 =	sor.u32 s9, s11;
	v34 =	vld.idx.msk [tilespmem:v34+s23+$0x0], $0xffff;
	[tilespmem:s4+$0x1300] =	vst v19  }
0x72: {  	s17 =	sadd.s32 $0x20, s17;
	s9 =	sshrl.u32 s5, $0x3;
	s13 =	sor.u32 $0x1000, s11;
	v19 =	vld.idx.msk [tilespmem:v35+s23+$0x0], $0xffff;
	[tilespmem:s4+$0x1380] =	vst v18  }
0x73: {  	s30 =	sshll.u32 s5, $0x2;
	s9 =	sand.u32 $0x3, s9;
	v18 =	vld.idx.msk [tilespmem:v33+s23+$0x0], $0xffff;
	s12 =	sor.u32 s3, s13;
	[tilespmem:s4+$0x0] =	vst v20  }
0x74: {  	s31 =	sand.u32 $0x60, s17;
	s30 =	sand.u32 $0x3FFFFF80, s30;
	s4 =	sshll.u32 s9, $0x9;
	v20 =	vld.idx.msk [tilespmem:v32+s23+$0x0], $0xffff;
	[tilespmem:s12+$0x1380] =	vst v31  }
0x75: {  	s14 =	sadd.s32 $0x2000, s11;
	s4 =	sadd.s32 s30, s4;
	s30 =	sor.u32 $0x10, s31;
	v31 =	vld.idx.msk [tilespmem:v17+s23+$0x0], $0xffff;
	[tilespmem:s12+$0x80] =	vst v21  }
0x76: {  	s16 =	sor.u32 s31, s4;
	s11 =	sor.u32 s30, s4;
	v21 =	vld.idx.msk [tilespmem:v16+s23+$0x0], $0xffff;
	s4 =	sor.u32 s0, s13;
	[tilespmem:s12+$0x100] =	vst v22  }
0x77: {  	s13 =	sor.u32 s3, s14;
	v16 =	vld [tilespmem:s11+$0x0];
	s11 =	sor.u32 s0, s14;
	[tilespmem:s12+$0x180] =	vst v23;
	s0 =	smov.u32 s31  }
0x78: {  	s3 =	smov.u32 s30;
	v17 =	vld [tilespmem:s16+$0x0];
	[tilespmem:s12+$0x200] =	vst v24  }
0x79: {  	p0 =	slt.u32 s5, $0x7E;
	v22 =	vld.idx.msk [tilespmem:v14+s23+$0x0], $0xffff;
	[tilespmem:s12+$0x280] =	vst v25  }
0x7a: {  	v23 =	vld.idx.msk [tilespmem:v13+s23+$0x0], $0xffff;
	[tilespmem:s12+$0x300] =	vst v26  }
0x7b: {  	v24 =	vld.idx.msk [tilespmem:v15+s23+$0x0], $0xffff;
	[tilespmem:s12+$0x380] =	vst v27  }
0x7c: {  	v13 =	vmul.f32 v16, v0;
	v25 =	vld.idx.msk [tilespmem:v11+s23+$0x0], $0xffff;
	[tilespmem:s13+$0x0] =	vst v28  }
0x7d: {  	v11 =	vmul.f32 v17, v0;
	v26 =	vld.idx.msk [tilespmem:v12+s23+$0x0], $0xffff;
	[tilespmem:s12+$0x1080] =	vst v29  }
0x7e: {  	v12 =	vtrunc.f32 v13;
	v27 =	vld.idx.msk [tilespmem:v10+s23+$0x0], $0xffff;
	[tilespmem:s12+$0x1100] =	vst v30  }
0x7f: {  	v10 =	vtrunc.f32 v11;
	v11 =	vcvt.f32.s32 v12;
	v28 =	vld.idx.msk [tilespmem:v9+s23+$0x0], $0xffff;
	[tilespmem:s12+$0x1180] =	vst v34  }
0x80: {  	v9 =	vcvt.f32.s32 v10;
	v29 =	vld.idx.msk [tilespmem:v7+s23+$0x0], $0xffff;
	[tilespmem:s12+$0x1200] =	vst v19  }
0x81: {  	v30 =	vmul.u32 $0x11, v11;
	v32 =	vld.idx.msk [tilespmem:v8+s23+$0x0], $0xffff;
	[tilespmem:s12+$0x1280] =	vst v18  }
0x82: {  	v7 =	vmul.u32 $0x11, v9;
	v36 =	vld.idx.msk [tilespmem:v5+s23+$0x0], $0xffff;
	[tilespmem:s12+$0x1300] =	vst v20  }
0x83: {  	v5 =	vadd.s32 $0x1, v30;
	v37 =	vld.idx.msk [tilespmem:v6+s23+$0x0], $0xffff;
	[tilespmem:s12+$0x0] =	vst v2  }
0x84: {  	v6 =	vadd.s32 $0x2, v30;
	v17 =	vadd.s32 $0x1, v7;
	v16 =	vadd.s32 $0x2, v7;
	v19 =	vld.idx.msk [tilespmem:v4+s23+$0x0], $0xffff  }
0x85: {  	v33 =	vadd.s32 $0x3, v30;
	v14 =	vadd.s32 $0x3, v7;
	v13 =	vadd.s32 $0x4, v7;
	v18 =	vld.idx.msk [tilespmem:v3+s23+$0x0], $0xffff  }
0x86: {  	v34 =	vadd.s32 $0x4, v30;
	v15 =	vadd.s32 $0x5, v7;
	v11 =	vadd.s32 $0x6, v7;
	v20 =	vld.idx.msk [tilespmem:v1+s23+$0x0], $0xffff;
	[tilespmem:s4+$0x80] =	vst v31;
	v1 =	vmovc v7  }
0x87: {  	v31 =	vadd.s32 $0x5, v30;
	v12 =	vadd.s32 $0x7, v1;
	v10 =	vadd.s32 $0x8, v1;
	v2 =	vld.idx.msk [tilespmem:v30+s23+$0x0], $0xffff;
	[tilespmem:s4+$0x100] =	vst v21  }
0x88: {  	v35 =	vadd.s32 $0x6, v30;
	v9 =	vadd.s32 $0x9, v1;
	v7 =	vadd.s32 $0xA, v1;
	v21 =	vld.idx.msk [tilespmem:v5+s23+$0x0], $0xffff;
	[tilespmem:s4+$0x180] =	vst v22  }
0x89: {  	v38 =	vadd.s32 $0x7, v30;
	v8 =	vadd.s32 $0xB, v1;
	v5 =	vadd.s32 $0xC, v1;
	v22 =	vld.idx.msk [tilespmem:v6+s23+$0x0], $0xffff;
	[tilespmem:s4+$0x200] =	vst v23  }
0x8a: {  	v4 =	vadd.s32 $0xE, v1;
	v6 =	vadd.s32 $0xD, v1;
	v23 =	vld.idx.msk [tilespmem:v33+s23+$0x0], $0xffff;
	v33 =	vadd.s32 $0x8, v30;
	[tilespmem:s4+$0x280] =	vst v24  }
0x8b: {  	v39 =	vadd.s32 $0xF, v30;
	v3 =	vadd.s32 $0xF, v1;
	v24 =	vld.idx.msk [tilespmem:v34+s23+$0x0], $0xffff;
	[tilespmem:s4+$0x300] =	vst v25  }
0x8c: {  	v40 =	vadd.s32 $0x9, v30;
	v25 =	vld.idx.msk [tilespmem:v31+s23+$0x0], $0xffff;
	[tilespmem:s4+$0x380] =	vst v26  }
0x8d: {  	v41 =	vadd.s32 $0xA, v30;
	v26 =	vld.idx.msk [tilespmem:v35+s23+$0x0], $0xffff;
	[tilespmem:s11+$0x0] =	vst v27  }
.Ltmp3:
0x8e: {  	v34 =	vadd.s32 $0xB, v30;
	v27 =	vld.idx.msk [tilespmem:v38+s23+$0x0], $0xffff;
	[tilespmem:s4+$0x1080] =	vst v28;
	(pc) =	sbr.rel @p0 .LBB2_4-.Ltmp3, $4  }
0x8f: {  	v35 =	vadd.s32 $0xC, v30;
	v28 =	vld.idx.msk [tilespmem:v33+s23+$0x0], $0xffff;
	[tilespmem:s4+$0x1100] =	vst v29  }
0x90: {  	v33 =	vadd.s32 $0xD, v30;
	v31 =	vld.idx.msk [tilespmem:v39+s23+$0x0], $0xffff;
	[tilespmem:s4+$0x1180] =	vst v32  }
0x91: {  	s11 =	sshll.u32 s5, $0x8;
	v32 =	vadd.s32 $0xE, v30;
	v29 =	vld.idx.msk [tilespmem:v40+s23+$0x0], $0xffff;
	[tilespmem:s4+$0x1200] =	vst v36  }
0x92: {  	s9 =	sshll.u32 s9, $0xA;
	s11 =	sand.u32 $0x3FFFE000, s11;
	v30 =	vld.idx.msk [tilespmem:v41+s23+$0x0], $0xffff;
	[tilespmem:s4+$0x1280] =	vst v37  }
0x93: {  	_ =	sdelay $0x3  }
0x94: {  	v34 =	vld.idx.msk [tilespmem:v34+s23+$0x0], $0xffff;
	s5 =	sor.u32 s9, s11;
	[tilespmem:s4+$0x1300] =	vst v19  }
0x95: {  	v19 =	vld.idx.msk [tilespmem:v35+s23+$0x0], $0xffff;
	[tilespmem:s4+$0x1380] =	vst v18;
	s9 =	sor.u32 $0x1000, s5  }
0x96: {  	v18 =	vld.idx.msk [tilespmem:v33+s23+$0x0], $0xffff;
	[tilespmem:s4+$0x0] =	vst v20;
	s12 =	sor.u32 s3, s9  }
0x97: {  	v20 =	vld.idx.msk [tilespmem:v32+s23+$0x0], $0xffff;
	[tilespmem:s12+$0x1380] =	vst v31  }
0x98: {  	v17 =	vld.idx.msk [tilespmem:v17+s23+$0x0], $0xffff;
	[tilespmem:s12+$0x80] =	vst v21  }
0x99: {  	v16 =	vld.idx.msk [tilespmem:v16+s23+$0x0], $0xffff;
	[tilespmem:s12+$0x100] =	vst v22  }
0x9a: {  	v14 =	vld.idx.msk [tilespmem:v14+s23+$0x0], $0xffff;
	[tilespmem:s12+$0x180] =	vst v23  }
0x9b: {  	v13 =	vld.idx.msk [tilespmem:v13+s23+$0x0], $0xffff;
	[tilespmem:s12+$0x200] =	vst v24  }
0x9c: {  	v15 =	vld.idx.msk [tilespmem:v15+s23+$0x0], $0xffff;
	[tilespmem:s12+$0x280] =	vst v25  }
0x9d: {  	v11 =	vld.idx.msk [tilespmem:v11+s23+$0x0], $0xffff;
	s13 =	sadd.s32 $0x2000, s5;
	[tilespmem:s12+$0x300] =	vst v26  }
0x9e: {  	v12 =	vld.idx.msk [tilespmem:v12+s23+$0x0], $0xffff;
	s14 =	sor.u32 s3, s13;
	[tilespmem:s12+$0x380] =	vst v27  }
0x9f: {  	v10 =	vld.idx.msk [tilespmem:v10+s23+$0x0], $0xffff;
	[tilespmem:s14+$0x0] =	vst v28  }
0xa0: {  	v9 =	vld.idx.msk [tilespmem:v9+s23+$0x0], $0xffff;
	[tilespmem:s12+$0x1080] =	vst v29  }
0xa1: {  	v7 =	vld.idx.msk [tilespmem:v7+s23+$0x0], $0xffff;
	[tilespmem:s12+$0x1100] =	vst v30  }
0xa2: {  	v8 =	vld.idx.msk [tilespmem:v8+s23+$0x0], $0xffff;
	[tilespmem:s12+$0x1180] =	vst v34  }
0xa3: {  	v5 =	vld.idx.msk [tilespmem:v5+s23+$0x0], $0xffff;
	[tilespmem:s12+$0x1200] =	vst v19  }
0xa4: {  	v6 =	vld.idx.msk [tilespmem:v6+s23+$0x0], $0xffff;
	[tilespmem:s12+$0x1280] =	vst v18  }
0xa5: {  	v4 =	vld.idx.msk [tilespmem:v4+s23+$0x0], $0xffff;
	[tilespmem:s12+$0x1300] =	vst v20  }
0xa6: {  	v3 =	vld.idx.msk [tilespmem:v3+s23+$0x0], $0xffff;
	s16 =	sor.u32 s0, s9;
	[tilespmem:s12+$0x0] =	vst v2  }
0xa7: {  	v1 =	vld.idx.msk [tilespmem:v1+s23+$0x0], $0xffff;
	[tilespmem:s16+$0x80] =	vst v17  }
0xa8: {  	[tilespmem:s16+$0x100] =	vst v16  }
0xa9: {  	[tilespmem:s16+$0x180] =	vst v14  }
0xaa: {  	[tilespmem:s16+$0x200] =	vst v13  }
0xab: {  	[tilespmem:s16+$0x280] =	vst v15  }
0xac: {  	[tilespmem:s16+$0x300] =	vst v11  }
0xad: {  	s17 =	sor.u32 s0, s13;
	[tilespmem:s16+$0x380] =	vst v12  }
0xae: {  	[tilespmem:s17+$0x0] =	vst v10  }
0xaf: {  	[tilespmem:s16+$0x1080] =	vst v9  }
0xb0: {  	[tilespmem:s16+$0x1100] =	vst v7  }
0xb1: {  	[tilespmem:s16+$0x1180] =	vst v8  }
0xb2: {  	[tilespmem:s16+$0x1200] =	vst v5  }
0xb3: {  	[tilespmem:s16+$0x1280] =	vst v6  }
0xb4: {  	[tilespmem:s16+$0x1300] =	vst v4  }
0xb5: {  	[tilespmem:s16+$0x1380] =	vst v3  }
0xb6: {  	[tilespmem:s16+$0x0] =	vst v1  }
0xb7: {  	s0 =	rddreg [dreg:$0x7]  }
0xb8: {  	[hbm4b:s0+s25] =	stream.strided.scatter [tilespmem:s25], [sflag:$0x2], $0x8000, s24, s25, $0x38;
	[tilespmem:$0x19100] =	vst v63  }
0xb9: {  	s18 =	simm.s32 $0x0;
	s29 =	simm.s32 $0x0;
	s3 =	rddreg [dreg:$0x8]  }
0xba: {  	[tilespmem:s18], [sflag:$0x1] =	stream.strided.gather [hbm4b:s3+s19], $0x800, s20, s19, $0x38;
	[tilespmem:$0x19100] =	vst v63  }
0xbb: {  	s30 =	simm.s32 $0x0;
	s3 =	sand.u32 $0x3, s29  }
0xbc: {  	s4 =	sand.u32 $0x3FFFFF80, s30;
	s31 =	sshll.u32 s3, $0x9  }
0xbd: {  	s9 =	sand.u32 $0x60, s18;
	_ =	swait.ge [sflag:s22], $0x800;
	s5 =	sadd.s32 s4, s31  }
0xbe: {  	s8 =	sor.u32 $0x10, s9;
	[sflag:s22] =	ssyncset.done $0x0;
	s0 =	sadd.s32 $0x800, s5  }
0xbf: {  	[sflag:s22] =	ssyncadd.s32 $0xFFFFF800;
	s14 =	sor.u32 s8, s0  }
0xc0: {  	v1 =	vld [tilespmem:s14+$0x0];
	_ =	sdelay $0x4  }
0xc1: {  	v1 =	vmul.f32 v1, v0;
	_ =	sdelay $0x1  }
0xc2: {  	v1 =	vtrunc.f32 v1  }
0xc3: {  	v1 =	vcvt.f32.s32 v1;
	_ =	sdelay $0x1  }
0xc4: {  	v1 =	vmul.u32 $0x11, v1;
	_ =	sdelay $0x1  }
0xc5: {  	v2 =	vadd.s32 $0x1, v1  }
0xc6: {  	s0 =	sor.u32 s9, s0;
	v3 =	vadd.s32 $0x2, v1  }
0xc7: {  	v5 =	vld [tilespmem:s0+$0x0];
	v4 =	vadd.s32 $0x3, v1  }
0xc8: {  	v6 =	vadd.s32 $0x4, v1  }
0xc9: {  	v8 =	vadd.s32 $0x5, v1;
	v7 =	vld.idx.msk [tilespmem:v1+s23+$0x0], $0xffff  }
0xca: {  	v9 =	vadd.s32 $0x6, v1;
	v2 =	vld.idx.msk [tilespmem:v2+s23+$0x0], $0xffff  }
0xcb: {  	v10 =	vadd.s32 $0x7, v1;
	v3 =	vld.idx.msk [tilespmem:v3+s23+$0x0], $0xffff  }
0xcc: {  	v5 =	vmul.f32 v5, v0;
	v11 =	vadd.s32 $0x8, v1;
	v4 =	vld.idx.msk [tilespmem:v4+s23+$0x0], $0xffff  }
0xcd: {  	v12 =	vadd.s32 $0xF, v1;
	v6 =	vld.idx.msk [tilespmem:v6+s23+$0x0], $0xffff  }
0xce: {  	v5 =	vtrunc.f32 v5;
	v13 =	vadd.s32 $0x9, v1;
	v8 =	vld.idx.msk [tilespmem:v8+s23+$0x0], $0xffff  }
0xcf: {  	v5 =	vcvt.f32.s32 v5;
	v14 =	vadd.s32 $0xA, v1;
	v9 =	vld.idx.msk [tilespmem:v9+s23+$0x0], $0xffff  }
0xd0: {  	v15 =	vadd.s32 $0xB, v1;
	v10 =	vld.idx.msk [tilespmem:v10+s23+$0x0], $0xffff  }
0xd1: {  	v5 =	vmul.u32 $0x11, v5;
	v16 =	vadd.s32 $0xC, v1;
	v11 =	vld.idx.msk [tilespmem:v11+s23+$0x0], $0xffff  }
0xd2: {  	v17 =	vadd.s32 $0xD, v1;
	v12 =	vld.idx.msk [tilespmem:v12+s23+$0x0], $0xffff  }
0xd3: {  	v18 =	vadd.s32 $0x1, v5;
	v13 =	vld.idx.msk [tilespmem:v13+s23+$0x0], $0xffff  }
0xd4: {  	s17 =	simm.s32 $0x0;
	v19 =	vadd.s32 $0x2, v5;
	v14 =	vld.idx.msk [tilespmem:v14+s23+$0x0], $0xffff  }
0xd5: {  	s16 =	simm.s32 $0x0;
	s18 =	simm.s32 $0x8;
	s3 =	sshll.u32 s3, $0xA;
	v1 =	vadd.s32 $0xE, v1;
	v15 =	vld.idx.msk [tilespmem:v15+s23+$0x0], $0xffff  }
0xd6: {  	s11 =	sand.u32 $0x3FFFFF80, s18;
	s4 =	sand.u32 $0x3, s17;
	s0 =	sand.u32 $0x3FFFE000, s16;
	v16 =	vld.idx.msk [tilespmem:v16+s23+$0x0], $0xffff  }
0xd7: {  	s17 =	simm.s32 $0x20;
	s12 =	sshll.u32 s4, $0x9;
	s13 =	sor.u32 s3, s0;
	v17 =	vld.idx.msk [tilespmem:v17+s23+$0x0], $0xffff  }
0xd8: {  	s29 =	sadd.s32 s11, s12;
	s0 =	sand.u32 $0x60, s17;
	s30 =	sadd.s32 $0x9000, s13;
	v20 =	vadd.s32 $0x3, v5;
	v22 =	vld.idx.msk [tilespmem:v18+s23+$0x0], $0xffff  }
0xd9: {  	s12 =	sadd.s32 $0x800, s29;
	s3 =	sor.u32 $0x10, s0;
	s14 =	sor.u32 s8, s30;
	v21 =	vadd.s32 $0x4, v5;
	v23 =	vld.idx.msk [tilespmem:v19+s23+$0x0], $0xffff  }
0xda: {  	s16 =	sor.u32 s3, s12;
	v18 =	vadd.s32 $0x5, v5;
	v1 =	vld.idx.msk [tilespmem:v1+s23+$0x0], $0xffff;
	[tilespmem:s14+$0x1380] =	vst v12  }
0xdb: {  	s12 =	sor.u32 s0, s12;
	v19 =	vadd.s32 $0x6, v5;
	v12 =	vld [tilespmem:s16+$0x0];
	[tilespmem:s14+$0x80] =	vst v2  }
0xdc: {  	v25 =	vadd.s32 $0x8, v5;
	v2 =	vld [tilespmem:s12+$0x0];
	[tilespmem:s14+$0x100] =	vst v3  }
0xdd: {  	v24 =	vadd.s32 $0x7, v5;
	v3 =	vld.idx.msk [tilespmem:v20+s23+$0x0], $0xffff;
	[tilespmem:s14+$0x180] =	vst v4  }
0xde: {  	v20 =	vadd.s32 $0x9, v5;
	v4 =	vld.idx.msk [tilespmem:v21+s23+$0x0], $0xffff;
	[tilespmem:s14+$0x200] =	vst v6  }
0xdf: {  	v21 =	vadd.s32 $0xA, v5;
	v6 =	vld.idx.msk [tilespmem:v18+s23+$0x0], $0xffff;
	[tilespmem:s14+$0x280] =	vst v8  }
0xe0: {  	s31 =	sadd.s32 $0xA000, s13;
	v18 =	vadd.s32 $0xB, v5;
	v8 =	vld.idx.msk [tilespmem:v19+s23+$0x0], $0xffff;
	[tilespmem:s14+$0x300] =	vst v9;
	v9 =	vmul.f32 v12, v0  }
0xe1: {  	s5 =	sor.u32 s8, s31;
	v19 =	vadd.s32 $0xC, v5;
	[tilespmem:s14+$0x380] =	vst v10;
	v10 =	vld.idx.msk [tilespmem:v25+s23+$0x0], $0xffff  }
0xe2: {  	v25 =	vadd.s32 $0xE, v5;
	[tilespmem:s5+$0x0] =	vst v11;
	v12 =	vld.idx.msk [tilespmem:v24+s23+$0x0], $0xffff;
	v9 =	vtrunc.f32 v9  }
0xe3: {  	[tilespmem:s14+$0x1080] =	vst v13;
	v29 =	vld.idx.msk [tilespmem:v20+s23+$0x0], $0xffff;
	v9 =	vcvt.f32.s32 v9  }
0xe4: {  	v11 =	vadd.s32 $0xF, v5;
	[tilespmem:s14+$0x1100] =	vst v14;
	v30 =	vld.idx.msk [tilespmem:v21+s23+$0x0], $0xffff  }
0xe5: {  	[tilespmem:s14+$0x1180] =	vst v15;
	v24 =	vadd.s32 $0xD, v5;
	v63 =	vld.idx.msk [tilespmem:v18+s23+$0x0], $0xffff;
	v37 =	vmul.u32 $0x11, v9  }
0xe6: {  	[tilespmem:s14+$0x1200] =	vst v16;
	v38 =	vld.idx.msk [tilespmem:v19+s23+$0x0], $0xffff  }
0xe7: {  	[tilespmem:s14+$0x1280] =	vst v17;
	v2 =	vmul.f32 v2, v0;
	v20 =	vld.idx.msk [tilespmem:v25+s23+$0x0], $0xffff;
	v9 =	vadd.s32 $0x1, v37  }
0xe8: {  	[tilespmem:s14+$0x0] =	vst v7;
	v21 =	vld.idx.msk [tilespmem:v5+s23+$0x0], $0xffff;
	v13 =	vadd.s32 $0x2, v37  }
0xe9: {  	s5 =	sor.u32 s9, s30;
	[tilespmem:s14+$0x1300] =	vst v1;
	v19 =	vld.idx.msk [tilespmem:v11+s23+$0x0], $0xffff;
	v1 =	vtrunc.f32 v2;
	v7 =	vadd.s32 $0x3, v37  }
0xea: {  	v1 =	vcvt.f32.s32 v1;
	v18 =	vld.idx.msk [tilespmem:v24+s23+$0x0], $0xffff;
	[tilespmem:s5+$0x80] =	vst v22;
	v5 =	vadd.s32 $0x4, v37  }
0xeb: {  	[tilespmem:s5+$0x100] =	vst v23;
	v26 =	vadd.s32 $0x5, v37;
	v2 =	vld.idx.msk [tilespmem:v37+s23+$0x0], $0xffff  }
0xec: {  	v1 =	vmul.u32 $0x11, v1;
	[tilespmem:s5+$0x180] =	vst v3;
	v27 =	vadd.s32 $0x6, v37;
	v22 =	vld.idx.msk [tilespmem:v9+s23+$0x0], $0xffff  }
0xed: {  	[tilespmem:s5+$0x200] =	vst v4;
	v3 =	vadd.s32 $0x7, v37;
	v23 =	vld.idx.msk [tilespmem:v13+s23+$0x0], $0xffff  }
0xee: {  	[tilespmem:s5+$0x280] =	vst v6;
	v17 =	vadd.s32 $0x1, v1;
	v4 =	vadd.s32 $0x8, v37;
	v24 =	vld.idx.msk [tilespmem:v7+s23+$0x0], $0xffff  }
0xef: {  	[tilespmem:s5+$0x300] =	vst v8;
	v16 =	vadd.s32 $0x2, v1;
	v11 =	vadd.s32 $0x3, v1;
	v31 =	vadd.s32 $0xF, v37;
	v25 =	vld.idx.msk [tilespmem:v5+s23+$0x0], $0xffff  }
0xf0: {  	s9 =	sor.u32 s9, s31;
	[tilespmem:s5+$0x380] =	vst v12;
	v14 =	vadd.s32 $0x4, v1;
	v15 =	vadd.s32 $0x5, v1;
	v39 =	vadd.s32 $0x9, v37;
	v26 =	vld.idx.msk [tilespmem:v26+s23+$0x0], $0xffff  }
0xf1: {  	[tilespmem:s9+$0x0] =	vst v10;
	v12 =	vadd.s32 $0x6, v1;
	v10 =	vadd.s32 $0x9, v1;
	v36 =	vadd.s32 $0xA, v37;
	v27 =	vld.idx.msk [tilespmem:v27+s23+$0x0], $0xffff  }
0xf2: {  	v8 =	vadd.s32 $0xB, v1;
	[tilespmem:s5+$0x1080] =	vst v29;
	v6 =	vadd.s32 $0xD, v1;
	v35 =	vadd.s32 $0xB, v37;
	v28 =	vld.idx.msk [tilespmem:v3+s23+$0x0], $0xffff  }
0xf3: {  	[tilespmem:s5+$0x1100] =	vst v30;
	v34 =	vadd.s32 $0xC, v37;
	v33 =	vadd.s32 $0xD, v37;
	v32 =	vadd.s32 $0xE, v37;
	v29 =	vld.idx.msk [tilespmem:v4+s23+$0x0], $0xffff  }
0xf4: {  	[tilespmem:s5+$0x1180] =	vst v63;
	v13 =	vadd.s32 $0x7, v1;
	v9 =	vadd.s32 $0x8, v1;
	v7 =	vadd.s32 $0xA, v1;
	v31 =	vld.idx.msk [tilespmem:v31+s23+$0x0], $0xffff  }
0xf5: {  	s11 =	simm.s32 $0x200;
	s9 =	simm.s32 $0x2;
	[tilespmem:s5+$0x1200] =	vst v38;
	v5 =	vadd.s32 $0xC, v1;
	v3 =	vadd.s32 $0xE, v1;
	v4 =	vadd.s32 $0xF, v1;
	v30 =	vld.idx.msk [tilespmem:v39+s23+$0x0], $0xffff  }
.LBB2_6:
0xf6: {  	s9 =	sadd.s32 $0x2, s9;
	s11 =	sand.u32 $0x3FFFE000, s11;
	s4 =	sshll.u32 s4, $0xA;
	v36 =	vld.idx.msk [tilespmem:v36+s23+$0x0], $0xffff;
	[tilespmem:s5+$0x1280] =	vst v18  }
0xf7: {  	s17 =	sadd.s32 $0x20, s17;
	s12 =	sshrl.u32 s9, $0x3;
	s11 =	sor.u32 s4, s11;
	v18 =	vld.idx.msk [tilespmem:v35+s23+$0x0], $0xffff;
	[tilespmem:s5+$0x1300] =	vst v20  }
0xf8: {  	s4 =	sand.u32 $0x3, s12;
	s12 =	sshll.u32 s9, $0x2;
	s13 =	sadd.s32 $0x9000, s11;
	v20 =	vld.idx.msk [tilespmem:v34+s23+$0x0], $0xffff;
	[tilespmem:s5+$0x1380] =	vst v19  }
0xf9: {  	s14 =	sshll.u32 s4, $0x9;
	s16 =	sand.u32 $0x3FFFFF80, s12;
	v19 =	vld.idx.msk [tilespmem:v33+s23+$0x0], $0xffff;
	s12 =	sor.u32 s3, s13;
	[tilespmem:s5+$0x0] =	vst v21  }
0xfa: {  	s30 =	sand.u32 $0x60, s17;
	s5 =	sadd.s32 s16, s14;
	s14 =	sadd.s32 $0xA000, s11;
	v21 =	vld.idx.msk [tilespmem:v32+s23+$0x0], $0xffff;
	[tilespmem:s12+$0x1380] =	vst v31  }
0xfb: {  	s16 =	sor.u32 $0x10, s30;
	s11 =	sadd.s32 $0x800, s5;
	v31 =	vld.idx.msk [tilespmem:v17+s23+$0x0], $0xffff;
	s5 =	sor.u32 s0, s13;
	[tilespmem:s12+$0x80] =	vst v22  }
0xfc: {  	s13 =	sor.u32 s30, s11;
	s31 =	sor.u32 s16, s11;
	v22 =	vld.idx.msk [tilespmem:v16+s23+$0x0], $0xffff;
	s11 =	sor.u32 s0, s14;
	[tilespmem:s12+$0x100] =	vst v23  }
0xfd: {  	s14 =	sor.u32 s3, s14;
	s0 =	smov.u32 s30;
	s3 =	smov.u32 s16;
	v16 =	vld [tilespmem:s31+$0x0];
	[tilespmem:s12+$0x180] =	vst v24  }
0xfe: {  	p0 =	slt.u32 s9, $0x7E;
	v17 =	vld [tilespmem:s13+$0x0];
	[tilespmem:s12+$0x200] =	vst v25  }
0xff: {  	v23 =	vld.idx.msk [tilespmem:v11+s23+$0x0], $0xffff;
	[tilespmem:s12+$0x280] =	vst v26  }
0x100: {  	v24 =	vld.idx.msk [tilespmem:v14+s23+$0x0], $0xffff;
	[tilespmem:s12+$0x300] =	vst v27  }
0x101: {  	v25 =	vld.idx.msk [tilespmem:v15+s23+$0x0], $0xffff;
	[tilespmem:s12+$0x380] =	vst v28  }
0x102: {  	v11 =	vmul.f32 v16, v0;
	v26 =	vld.idx.msk [tilespmem:v12+s23+$0x0], $0xffff;
	[tilespmem:s14+$0x0] =	vst v29  }
0x103: {  	v12 =	vmul.f32 v17, v0;
	v27 =	vld.idx.msk [tilespmem:v13+s23+$0x0], $0xffff;
	[tilespmem:s12+$0x1080] =	vst v30  }
0x104: {  	v11 =	vtrunc.f32 v11;
	v28 =	vld.idx.msk [tilespmem:v9+s23+$0x0], $0xffff;
	[tilespmem:s12+$0x1100] =	vst v36  }
0x105: {  	v9 =	vtrunc.f32 v12;
	v11 =	vcvt.f32.s32 v11;
	v29 =	vld.idx.msk [tilespmem:v10+s23+$0x0], $0xffff;
	[tilespmem:s12+$0x1180] =	vst v18  }
0x106: {  	v9 =	vcvt.f32.s32 v9;
	v30 =	vld.idx.msk [tilespmem:v7+s23+$0x0], $0xffff;
	[tilespmem:s12+$0x1200] =	vst v20  }
0x107: {  	v32 =	vmul.u32 $0x11, v11;
	v37 =	vld.idx.msk [tilespmem:v8+s23+$0x0], $0xffff;
	[tilespmem:s12+$0x1280] =	vst v19  }
0x108: {  	v7 =	vmul.u32 $0x11, v9;
	v38 =	vld.idx.msk [tilespmem:v5+s23+$0x0], $0xffff;
	[tilespmem:s12+$0x1300] =	vst v21  }
0x109: {  	v5 =	vadd.s32 $0x1, v32;
	v18 =	vld.idx.msk [tilespmem:v6+s23+$0x0], $0xffff;
	[tilespmem:s12+$0x0] =	vst v2  }
0x10a: {  	v6 =	vadd.s32 $0x2, v32;
	v17 =	vadd.s32 $0x1, v7;
	v16 =	vadd.s32 $0x2, v7;
	v20 =	vld.idx.msk [tilespmem:v3+s23+$0x0], $0xffff  }
0x10b: {  	v33 =	vadd.s32 $0x3, v32;
	v11 =	vadd.s32 $0x3, v7;
	v14 =	vadd.s32 $0x4, v7;
	v19 =	vld.idx.msk [tilespmem:v4+s23+$0x0], $0xffff  }
0x10c: {  	v34 =	vadd.s32 $0x4, v32;
	v15 =	vadd.s32 $0x5, v7;
	v12 =	vadd.s32 $0x6, v7;
	v21 =	vld.idx.msk [tilespmem:v1+s23+$0x0], $0xffff;
	[tilespmem:s5+$0x80] =	vst v31;
	v1 =	vmovc v7  }
0x10d: {  	v31 =	vadd.s32 $0x5, v32;
	v13 =	vadd.s32 $0x7, v1;
	v9 =	vadd.s32 $0x8, v1;
	v2 =	vld.idx.msk [tilespmem:v32+s23+$0x0], $0xffff;
	[tilespmem:s5+$0x100] =	vst v22  }
0x10e: {  	v35 =	vadd.s32 $0x6, v32;
	v10 =	vadd.s32 $0x9, v1;
	v7 =	vadd.s32 $0xA, v1;
	v22 =	vld.idx.msk [tilespmem:v5+s23+$0x0], $0xffff;
	[tilespmem:s5+$0x180] =	vst v23  }
0x10f: {  	v39 =	vadd.s32 $0x7, v32;
	v8 =	vadd.s32 $0xB, v1;
	v5 =	vadd.s32 $0xC, v1;
	v23 =	vld.idx.msk [tilespmem:v6+s23+$0x0], $0xffff;
	[tilespmem:s5+$0x200] =	vst v24  }
0x110: {  	v3 =	vadd.s32 $0xE, v1;
	v6 =	vadd.s32 $0xD, v1;
	v24 =	vld.idx.msk [tilespmem:v33+s23+$0x0], $0xffff;
	v33 =	vadd.s32 $0x8, v32;
	[tilespmem:s5+$0x280] =	vst v25  }
0x111: {  	v40 =	vadd.s32 $0xF, v32;
	v4 =	vadd.s32 $0xF, v1;
	v25 =	vld.idx.msk [tilespmem:v34+s23+$0x0], $0xffff;
	[tilespmem:s5+$0x300] =	vst v26  }
0x112: {  	v41 =	vadd.s32 $0x9, v32;
	v26 =	vld.idx.msk [tilespmem:v31+s23+$0x0], $0xffff;
	[tilespmem:s5+$0x380] =	vst v27  }
.Ltmp4:
0x113: {  	v36 =	vadd.s32 $0xA, v32;
	v27 =	vld.idx.msk [tilespmem:v35+s23+$0x0], $0xffff;
	[tilespmem:s11+$0x0] =	vst v28;
	(pc) =	sbr.rel @p0 .LBB2_6-.Ltmp4, $4  }
0x114: {  	v35 =	vadd.s32 $0xB, v32;
	v28 =	vld.idx.msk [tilespmem:v39+s23+$0x0], $0xffff;
	[tilespmem:s5+$0x1080] =	vst v29  }
0x115: {  	v34 =	vadd.s32 $0xC, v32;
	v29 =	vld.idx.msk [tilespmem:v33+s23+$0x0], $0xffff;
	[tilespmem:s5+$0x1100] =	vst v30  }
0x116: {  	v33 =	vadd.s32 $0xD, v32;
	v31 =	vld.idx.msk [tilespmem:v40+s23+$0x0], $0xffff;
	[tilespmem:s5+$0x1180] =	vst v37  }
0x117: {  	s11 =	sshll.u32 s9, $0x8;
	v32 =	vadd.s32 $0xE, v32;
	v30 =	vld.idx.msk [tilespmem:v41+s23+$0x0], $0xffff;
	[tilespmem:s5+$0x1200] =	vst v38  }
0x118: {  	_ =	sdelay $0x3  }
0x119: {  	v36 =	vld.idx.msk [tilespmem:v36+s23+$0x0], $0xffff  }
0x11a: {  	v60 =	vld.idx.msk [tilespmem:v35+s23+$0x0], $0xffff  }
0x11b: {  	v61 =	vld.idx.msk [tilespmem:v34+s23+$0x0], $0xffff  }
0x11c: {  	v62 =	vld.idx.msk [tilespmem:v33+s23+$0x0], $0xffff  }
0x11d: {  	v63 =	vld.idx.msk [tilespmem:v32+s23+$0x0], $0xffff  }
0x11e: {  	v17 =	vld.idx.msk [tilespmem:v17+s23+$0x0], $0xffff  }
0x11f: {  	v16 =	vld.idx.msk [tilespmem:v16+s23+$0x0], $0xffff  }
0x120: {  	s9 =	sand.u32 $0x3FFFE000, s11;
	s4 =	sshll.u32 s4, $0xA;
	[tilespmem:s5+$0x1280] =	vst v18;
	v11 =	vld.idx.msk [tilespmem:v11+s23+$0x0], $0xffff  }
0x121: {  	[tilespmem:s5+$0x1300] =	vst v20;
	v14 =	vld.idx.msk [tilespmem:v14+s23+$0x0], $0xffff;
	s4 =	sor.u32 s4, s9  }
0x122: {  	[tilespmem:s5+$0x1380] =	vst v19;
	v15 =	vld.idx.msk [tilespmem:v15+s23+$0x0], $0xffff;
	s9 =	sadd.s32 $0x9000, s4  }
0x123: {  	[tilespmem:s5+$0x0] =	vst v21;
	v12 =	vld.idx.msk [tilespmem:v12+s23+$0x0], $0xffff;
	s16 =	sor.u32 s3, s9  }
0x124: {  	v13 =	vld.idx.msk [tilespmem:v13+s23+$0x0], $0xffff;
	[tilespmem:s16+$0x1380] =	vst v31  }
0x125: {  	v9 =	vld.idx.msk [tilespmem:v9+s23+$0x0], $0xffff;
	[tilespmem:s16+$0x80] =	vst v22  }
0x126: {  	v10 =	vld.idx.msk [tilespmem:v10+s23+$0x0], $0xffff;
	[tilespmem:s16+$0x100] =	vst v23  }
0x127: {  	v7 =	vld.idx.msk [tilespmem:v7+s23+$0x0], $0xffff;
	[tilespmem:s16+$0x180] =	vst v24  }
0x128: {  	v8 =	vld.idx.msk [tilespmem:v8+s23+$0x0], $0xffff;
	[tilespmem:s16+$0x200] =	vst v25  }
0x129: {  	v5 =	vld.idx.msk [tilespmem:v5+s23+$0x0], $0xffff;
	[tilespmem:s16+$0x280] =	vst v26  }
0x12a: {  	v6 =	vld.idx.msk [tilespmem:v6+s23+$0x0], $0xffff;
	s4 =	sadd.s32 $0xA000, s4;
	[tilespmem:s16+$0x300] =	vst v27  }
0x12b: {  	v3 =	vld.idx.msk [tilespmem:v3+s23+$0x0], $0xffff;
	s17 =	sor.u32 s3, s4;
	[tilespmem:s16+$0x380] =	vst v28  }
0x12c: {  	v4 =	vld.idx.msk [tilespmem:v4+s23+$0x0], $0xffff;
	s18 =	sor.u32 s0, s9;
	[tilespmem:s17+$0x0] =	vst v29  }
0x12d: {  	v1 =	vld.idx.msk [tilespmem:v1+s23+$0x0], $0xffff;
	[tilespmem:s18+$0x80] =	vst v17  }
0x12e: {  	[tilespmem:s18+$0x100] =	vst v16  }
0x12f: {  	[tilespmem:s18+$0x180] =	vst v11  }
0x130: {  	[tilespmem:s18+$0x200] =	vst v14  }
0x131: {  	[tilespmem:s18+$0x280] =	vst v15  }
0x132: {  	[tilespmem:s18+$0x300] =	vst v12  }
0x133: {  	[tilespmem:s18+$0x380] =	vst v13  }
0x134: {  	[tilespmem:s16+$0x1080] =	vst v30  }
0x135: {  	[tilespmem:s16+$0x1100] =	vst v36  }
0x136: {  	[tilespmem:s16+$0x1180] =	vst v60  }
0x137: {  	[tilespmem:s16+$0x1200] =	vst v61  }
0x138: {  	[tilespmem:s16+$0x1280] =	vst v62  }
0x139: {  	[tilespmem:s16+$0x1300] =	vst v63  }
0x13a: {  	s29 =	sor.u32 s0, s4;
	[tilespmem:s16+$0x0] =	vst v2  }
0x13b: {  	[tilespmem:s29+$0x0] =	vst v9  }
0x13c: {  	[tilespmem:s18+$0x1080] =	vst v10  }
0x13d: {  	[tilespmem:s18+$0x1100] =	vst v7  }
0x13e: {  	[tilespmem:s18+$0x1180] =	vst v8  }
0x13f: {  	[tilespmem:s18+$0x1200] =	vst v5  }
0x140: {  	[tilespmem:s18+$0x1280] =	vst v6  }
0x141: {  	[tilespmem:s18+$0x1300] =	vst v3  }
0x142: {  	[tilespmem:s18+$0x1380] =	vst v4  }
0x143: {  	[tilespmem:s18+$0x0] =	vst v1  }
0x144: {  	s0 =	rddreg [dreg:$0x9]  }
0x145: {  	[hbm4b:s0+s25] =	stream.strided.scatter [tilespmem:s26], [sflag:$0x2], $0x8000, s24, s25, $0x38;
	[tilespmem:$0x19100] =	vst v63  }
0x146: {  	s30 =	simm.s32 $0x1;
	s31 =	rddreg [dreg:$0xa]  }
0x147: {  	[tilespmem:s21], [sflag:$0x1] =	stream.strided.gather [hbm4b:s31+s19], $0x800, s20, s19, $0x38;
	[tilespmem:$0x19100] =	vst v63  }
.LBB2_8:
0x148: {  	_ =	swait.ge [sflag:s22], $0x800;
	s0 =	simm.s32 $0x0  }
0x149: {  	s3 =	simm.s32 $0x0;
	s4 =	simm.s32 $0x0;
	[sflag:s22] =	ssyncset.done $0x0  }
0x14a: {  	s0 =	sand.u32 $0x3, s0;
	s5 =	sand.u32 $0x60, s3;
	[sflag:s22] =	ssyncadd.s32 $0xFFFFF800  }
0x14b: {  	s4 =	sand.u32 $0x3FFFFF80, s4;
	s31 =	sshll.u32 s0, $0x9;
	_ =	swait.ge [sflag:s28], $0x8000  }
0x14c: {  	s8 =	sor.u32 $0x10, s5;
	s3 =	sadd.s32 s4, s31;
	[sflag:s28] =	ssyncset.done $0x0  }
0x14d: {  	s9 =	sor.u32 s8, s3;
	[sflag:s28] =	ssyncadd.s32 $0xFFFF8000  }
0x14e: {  	v1 =	vld [tilespmem:s9+$0x0];
	_ =	sdelay $0x4  }
0x14f: {  	v1 =	vmul.f32 v1, v0;
	_ =	sdelay $0x1  }
0x150: {  	v1 =	vtrunc.f32 v1  }
0x151: {  	v1 =	vcvt.f32.s32 v1;
	_ =	sdelay $0x1  }
0x152: {  	v1 =	vmul.u32 $0x11, v1;
	_ =	sdelay $0x1  }
0x153: {  	v2 =	vadd.s32 $0x1, v1  }
0x154: {  	s3 =	sor.u32 s5, s3;
	v3 =	vadd.s32 $0x2, v1  }
0x155: {  	v5 =	vld [tilespmem:s3+$0x0];
	v4 =	vadd.s32 $0x3, v1  }
0x156: {  	v6 =	vadd.s32 $0x4, v1  }
0x157: {  	v8 =	vadd.s32 $0x5, v1;
	v7 =	vld.idx.msk [tilespmem:v1+s23+$0x0], $0xffff  }
0x158: {  	v9 =	vadd.s32 $0x6, v1;
	v2 =	vld.idx.msk [tilespmem:v2+s23+$0x0], $0xffff  }
0x159: {  	v10 =	vadd.s32 $0x7, v1;
	v3 =	vld.idx.msk [tilespmem:v3+s23+$0x0], $0xffff  }
0x15a: {  	v5 =	vmul.f32 v5, v0;
	v11 =	vadd.s32 $0x8, v1;
	v4 =	vld.idx.msk [tilespmem:v4+s23+$0x0], $0xffff  }
0x15b: {  	v12 =	vadd.s32 $0xF, v1;
	v6 =	vld.idx.msk [tilespmem:v6+s23+$0x0], $0xffff  }
0x15c: {  	v5 =	vtrunc.f32 v5;
	v13 =	vadd.s32 $0x9, v1;
	v8 =	vld.idx.msk [tilespmem:v8+s23+$0x0], $0xffff  }
0x15d: {  	v5 =	vcvt.f32.s32 v5;
	v14 =	vadd.s32 $0xA, v1;
	v9 =	vld.idx.msk [tilespmem:v9+s23+$0x0], $0xffff  }
0x15e: {  	v15 =	vadd.s32 $0xB, v1;
	v10 =	vld.idx.msk [tilespmem:v10+s23+$0x0], $0xffff  }
0x15f: {  	v5 =	vmul.u32 $0x11, v5;
	v16 =	vadd.s32 $0xC, v1;
	v11 =	vld.idx.msk [tilespmem:v11+s23+$0x0], $0xffff  }
0x160: {  	v17 =	vadd.s32 $0xD, v1;
	v12 =	vld.idx.msk [tilespmem:v12+s23+$0x0], $0xffff  }
0x161: {  	v18 =	vadd.s32 $0x1, v5;
	v13 =	vld.idx.msk [tilespmem:v13+s23+$0x0], $0xffff  }
0x162: {  	v19 =	vadd.s32 $0x2, v5;
	v14 =	vld.idx.msk [tilespmem:v14+s23+$0x0], $0xffff  }
0x163: {  	s14 =	simm.s32 $0x0;
	s16 =	simm.s32 $0x0;
	v1 =	vadd.s32 $0xE, v1;
	v15 =	vld.idx.msk [tilespmem:v15+s23+$0x0], $0xffff  }
0x164: {  	s17 =	simm.s32 $0x20;
	s29 =	simm.s32 $0x8;
	s18 =	sand.u32 $0x3, s16;
	v16 =	vld.idx.msk [tilespmem:v16+s23+$0x0], $0xffff  }
0x165: {  	s0 =	sshll.u32 s0, $0xA;
	s12 =	sshll.u32 s18, $0x9;
	s3 =	sand.u32 $0x3FFFE000, s14;
	v17 =	vld.idx.msk [tilespmem:v17+s23+$0x0], $0xffff  }
0x166: {  	s11 =	sor.u32 s0, s3;
	s0 =	sand.u32 $0x60, s17;
	s3 =	sand.u32 $0x3FFFFF80, s29;
	v20 =	vadd.s32 $0x3, v5;
	v22 =	vld.idx.msk [tilespmem:v18+s23+$0x0], $0xffff  }
0x167: {  	s13 =	sor.u32 $0x1000, s11;
	s12 =	sadd.s32 s3, s12;
	s3 =	sor.u32 $0x10, s0;
	v21 =	vadd.s32 $0x4, v5;
	v23 =	vld.idx.msk [tilespmem:v19+s23+$0x0], $0xffff  }
0x168: {  	s14 =	sor.u32 s8, s13;
	s16 =	sor.u32 s3, s12;
	v18 =	vadd.s32 $0x5, v5;
	v1 =	vld.idx.msk [tilespmem:v1+s23+$0x0], $0xffff  }
0x169: {  	s12 =	sor.u32 s0, s12;
	v19 =	vadd.s32 $0x6, v5;
	[tilespmem:s14+$0x1380] =	vst v12;
	v12 =	vld [tilespmem:s16+$0x0]  }
0x16a: {  	v25 =	vadd.s32 $0x8, v5;
	[tilespmem:s14+$0x80] =	vst v2;
	v2 =	vld [tilespmem:s12+$0x0]  }
0x16b: {  	v24 =	vadd.s32 $0x7, v5;
	[tilespmem:s14+$0x100] =	vst v3;
	v3 =	vld.idx.msk [tilespmem:v20+s23+$0x0], $0xffff  }
0x16c: {  	v20 =	vadd.s32 $0x9, v5;
	[tilespmem:s14+$0x180] =	vst v4;
	v4 =	vld.idx.msk [tilespmem:v21+s23+$0x0], $0xffff  }
0x16d: {  	v21 =	vadd.s32 $0xA, v5;
	[tilespmem:s14+$0x200] =	vst v6;
	v6 =	vld.idx.msk [tilespmem:v18+s23+$0x0], $0xffff  }
0x16e: {  	v18 =	vadd.s32 $0xB, v5;
	[tilespmem:s14+$0x280] =	vst v8;
	v8 =	vld.idx.msk [tilespmem:v19+s23+$0x0], $0xffff  }
0x16f: {  	s11 =	sadd.s32 $0x2000, s11;
	v19 =	vadd.s32 $0xC, v5;
	[tilespmem:s14+$0x380] =	vst v10;
	v10 =	vld.idx.msk [tilespmem:v25+s23+$0x0], $0xffff  }
0x170: {  	s4 =	sor.u32 s8, s11;
	[tilespmem:s14+$0x300] =	vst v9;
	v25 =	vadd.s32 $0xE, v5;
	v9 =	vmul.f32 v12, v0;
	v12 =	vld.idx.msk [tilespmem:v24+s23+$0x0], $0xffff  }
0x171: {  	[tilespmem:s4+$0x0] =	vst v11;
	v28 =	vld.idx.msk [tilespmem:v20+s23+$0x0], $0xffff  }
0x172: {  	v11 =	vadd.s32 $0xF, v5;
	[tilespmem:s14+$0x1080] =	vst v13;
	v29 =	vld.idx.msk [tilespmem:v21+s23+$0x0], $0xffff;
	v9 =	vtrunc.f32 v9  }
0x173: {  	[tilespmem:s14+$0x1100] =	vst v14;
	v24 =	vadd.s32 $0xD, v5;
	v30 =	vld.idx.msk [tilespmem:v18+s23+$0x0], $0xffff;
	v9 =	vcvt.f32.s32 v9  }
0x174: {  	[tilespmem:s14+$0x1180] =	vst v15;
	v33 =	vld.idx.msk [tilespmem:v19+s23+$0x0], $0xffff  }
0x175: {  	[tilespmem:s14+$0x1200] =	vst v16;
	v19 =	vld.idx.msk [tilespmem:v25+s23+$0x0], $0xffff;
	v32 =	vmul.u32 $0x11, v9  }
0x176: {  	[tilespmem:s14+$0x0] =	vst v7;
	v20 =	vld.idx.msk [tilespmem:v5+s23+$0x0], $0xffff  }
0x177: {  	s4 =	sor.u32 s5, s13;
	[tilespmem:s14+$0x1300] =	vst v1;
	v18 =	vld.idx.msk [tilespmem:v11+s23+$0x0], $0xffff;
	v9 =	vadd.s32 $0x1, v32  }
0x178: {  	v36 =	vld.idx.msk [tilespmem:v24+s23+$0x0], $0xffff;
	[tilespmem:s4+$0x80] =	vst v22;
	v1 =	vadd.s32 $0x2, v32  }
0x179: {  	v2 =	vmul.f32 v2, v0;
	[tilespmem:s4+$0x100] =	vst v23;
	v7 =	vadd.s32 $0x3, v32  }
0x17a: {  	[tilespmem:s4+$0x180] =	vst v3;
	v5 =	vadd.s32 $0x4, v32  }
0x17b: {  	v11 =	vtrunc.f32 v2;
	[tilespmem:s4+$0x200] =	vst v4;
	v13 =	vadd.s32 $0x5, v32;
	v2 =	vld.idx.msk [tilespmem:v32+s23+$0x0], $0xffff  }
0x17c: {  	[tilespmem:s4+$0x280] =	vst v6;
	v35 =	vadd.s32 $0x9, v32;
	v21 =	vld.idx.msk [tilespmem:v9+s23+$0x0], $0xffff  }
0x17d: {  	[tilespmem:s4+$0x300] =	vst v8;
	v3 =	vadd.s32 $0x7, v32;
	v22 =	vld.idx.msk [tilespmem:v1+s23+$0x0], $0xffff  }
0x17e: {  	s5 =	sor.u32 s5, s11;
	v11 =	vcvt.f32.s32 v11;
	[tilespmem:s4+$0x380] =	vst v12;
	v4 =	vadd.s32 $0x8, v32;
	v23 =	vld.idx.msk [tilespmem:v7+s23+$0x0], $0xffff  }
0x17f: {  	[tilespmem:s5+$0x0] =	vst v10;
	v31 =	vadd.s32 $0xF, v32;
	v37 =	vadd.s32 $0xA, v32;
	v24 =	vld.idx.msk [tilespmem:v5+s23+$0x0], $0xffff  }
0x180: {  	v34 =	vadd.s32 $0xB, v32;
	[tilespmem:s4+$0x1200] =	vst v33;
	v33 =	vadd.s32 $0xD, v32;
	v1 =	vmul.u32 $0x11, v11;
	v25 =	vld.idx.msk [tilespmem:v13+s23+$0x0], $0xffff  }
0x181: {  	[tilespmem:s4+$0x1100] =	vst v29;
	v9 =	vadd.s32 $0x6, v32;
	v29 =	vld.idx.msk [tilespmem:v35+s23+$0x0], $0xffff;
	v35 =	vadd.s32 $0xC, v32;
	v32 =	vadd.s32 $0xE, v32  }
0x182: {  	[tilespmem:s14+$0x1280] =	vst v17;
	v27 =	vld.idx.msk [tilespmem:v3+s23+$0x0], $0xffff;
	v17 =	vadd.s32 $0x1, v1;
	v16 =	vadd.s32 $0x2, v1;
	v14 =	vadd.s32 $0x3, v1  }
0x183: {  	[tilespmem:s4+$0x1080] =	vst v28;
	v28 =	vld.idx.msk [tilespmem:v4+s23+$0x0], $0xffff;
	v13 =	vadd.s32 $0x4, v1;
	v15 =	vadd.s32 $0x5, v1;
	v11 =	vadd.s32 $0x6, v1  }
0x184: {  	v31 =	vld.idx.msk [tilespmem:v31+s23+$0x0], $0xffff;
	v12 =	vadd.s32 $0x7, v1;
	v10 =	vadd.s32 $0x8, v1;
	v7 =	vadd.s32 $0xA, v1  }
0x185: {  	s31 =	simm.s32 $0x200;
	[tilespmem:s4+$0x1180] =	vst v30;
	v30 =	vld.idx.msk [tilespmem:v37+s23+$0x0], $0xffff;
	v8 =	vadd.s32 $0xB, v1;
	v5 =	vadd.s32 $0xC, v1;
	v6 =	vadd.s32 $0xD, v1  }
0x186: {  	s9 =	sshll.u32 s18, $0xA;
	s11 =	sand.u32 $0x3FFFE000, s31;
	s5 =	simm.s32 $0x2;
	[tilespmem:s4+$0x1280] =	vst v36;
	v4 =	vadd.s32 $0xE, v1;
	v3 =	vadd.s32 $0xF, v1;
	v26 =	vld.idx.msk [tilespmem:v9+s23+$0x0], $0xffff;
	v9 =	vadd.s32 $0x9, v1  }
.LBB2_9:
0x187: {  	s5 =	sadd.s32 $0x2, s5;
	s11 =	sor.u32 s9, s11;
	v34 =	vld.idx.msk [tilespmem:v34+s23+$0x0], $0xffff;
	[tilespmem:s4+$0x1300] =	vst v19  }
0x188: {  	s17 =	sadd.s32 $0x20, s17;
	s9 =	sshrl.u32 s5, $0x3;
	s13 =	sor.u32 $0x1000, s11;
	v19 =	vld.idx.msk [tilespmem:v35+s23+$0x0], $0xffff;
	[tilespmem:s4+$0x1380] =	vst v18  }
0x189: {  	s14 =	sshll.u32 s5, $0x2;
	s9 =	sand.u32 $0x3, s9;
	v18 =	vld.idx.msk [tilespmem:v33+s23+$0x0], $0xffff;
	s12 =	sor.u32 s3, s13;
	[tilespmem:s4+$0x0] =	vst v20  }
0x18a: {  	s16 =	sand.u32 $0x60, s17;
	s14 =	sand.u32 $0x3FFFFF80, s14;
	s4 =	sshll.u32 s9, $0x9;
	v20 =	vld.idx.msk [tilespmem:v32+s23+$0x0], $0xffff;
	[tilespmem:s12+$0x1380] =	vst v31  }
0x18b: {  	s31 =	sadd.s32 $0x2000, s11;
	s4 =	sadd.s32 s14, s4;
	s14 =	sor.u32 $0x10, s16;
	v31 =	vld.idx.msk [tilespmem:v17+s23+$0x0], $0xffff;
	[tilespmem:s12+$0x80] =	vst v21  }
0x18c: {  	s8 =	sor.u32 s16, s4;
	s11 =	sor.u32 s14, s4;
	v21 =	vld.idx.msk [tilespmem:v16+s23+$0x0], $0xffff;
	s4 =	sor.u32 s0, s13;
	[tilespmem:s12+$0x100] =	vst v22  }
0x18d: {  	s13 =	sor.u32 s3, s31;
	v16 =	vld [tilespmem:s11+$0x0];
	s11 =	sor.u32 s0, s31;
	[tilespmem:s12+$0x180] =	vst v23;
	s0 =	smov.u32 s16  }
0x18e: {  	s3 =	smov.u32 s14;
	v17 =	vld [tilespmem:s8+$0x0];
	[tilespmem:s12+$0x200] =	vst v24  }
0x18f: {  	p0 =	slt.u32 s5, $0x7E;
	v22 =	vld.idx.msk [tilespmem:v14+s23+$0x0], $0xffff;
	[tilespmem:s12+$0x280] =	vst v25  }
0x190: {  	v23 =	vld.idx.msk [tilespmem:v13+s23+$0x0], $0xffff;
	[tilespmem:s12+$0x300] =	vst v26  }
0x191: {  	v24 =	vld.idx.msk [tilespmem:v15+s23+$0x0], $0xffff;
	[tilespmem:s12+$0x380] =	vst v27  }
0x192: {  	v13 =	vmul.f32 v16, v0;
	v25 =	vld.idx.msk [tilespmem:v11+s23+$0x0], $0xffff;
	[tilespmem:s13+$0x0] =	vst v28  }
0x193: {  	v11 =	vmul.f32 v17, v0;
	v26 =	vld.idx.msk [tilespmem:v12+s23+$0x0], $0xffff;
	[tilespmem:s12+$0x1080] =	vst v29  }
0x194: {  	v12 =	vtrunc.f32 v13;
	v27 =	vld.idx.msk [tilespmem:v10+s23+$0x0], $0xffff;
	[tilespmem:s12+$0x1100] =	vst v30  }
0x195: {  	v10 =	vtrunc.f32 v11;
	v11 =	vcvt.f32.s32 v12;
	v28 =	vld.idx.msk [tilespmem:v9+s23+$0x0], $0xffff;
	[tilespmem:s12+$0x1180] =	vst v34  }
0x196: {  	v9 =	vcvt.f32.s32 v10;
	v29 =	vld.idx.msk [tilespmem:v7+s23+$0x0], $0xffff;
	[tilespmem:s12+$0x1200] =	vst v19  }
0x197: {  	v30 =	vmul.u32 $0x11, v11;
	v32 =	vld.idx.msk [tilespmem:v8+s23+$0x0], $0xffff;
	[tilespmem:s12+$0x1280] =	vst v18  }
0x198: {  	v7 =	vmul.u32 $0x11, v9;
	v36 =	vld.idx.msk [tilespmem:v5+s23+$0x0], $0xffff;
	[tilespmem:s12+$0x1300] =	vst v20  }
0x199: {  	v5 =	vadd.s32 $0x1, v30;
	v37 =	vld.idx.msk [tilespmem:v6+s23+$0x0], $0xffff;
	[tilespmem:s12+$0x0] =	vst v2  }
0x19a: {  	v6 =	vadd.s32 $0x2, v30;
	v17 =	vadd.s32 $0x1, v7;
	v16 =	vadd.s32 $0x2, v7;
	v19 =	vld.idx.msk [tilespmem:v4+s23+$0x0], $0xffff  }
0x19b: {  	v33 =	vadd.s32 $0x3, v30;
	v14 =	vadd.s32 $0x3, v7;
	v13 =	vadd.s32 $0x4, v7;
	v18 =	vld.idx.msk [tilespmem:v3+s23+$0x0], $0xffff  }
0x19c: {  	v34 =	vadd.s32 $0x4, v30;
	v15 =	vadd.s32 $0x5, v7;
	v11 =	vadd.s32 $0x6, v7;
	v20 =	vld.idx.msk [tilespmem:v1+s23+$0x0], $0xffff;
	[tilespmem:s4+$0x80] =	vst v31;
	v1 =	vmovc v7  }
0x19d: {  	v31 =	vadd.s32 $0x5, v30;
	v12 =	vadd.s32 $0x7, v1;
	v10 =	vadd.s32 $0x8, v1;
	v2 =	vld.idx.msk [tilespmem:v30+s23+$0x0], $0xffff;
	[tilespmem:s4+$0x100] =	vst v21  }
0x19e: {  	v35 =	vadd.s32 $0x6, v30;
	v9 =	vadd.s32 $0x9, v1;
	v7 =	vadd.s32 $0xA, v1;
	v21 =	vld.idx.msk [tilespmem:v5+s23+$0x0], $0xffff;
	[tilespmem:s4+$0x180] =	vst v22  }
0x19f: {  	v38 =	vadd.s32 $0x7, v30;
	v8 =	vadd.s32 $0xB, v1;
	v5 =	vadd.s32 $0xC, v1;
	v22 =	vld.idx.msk [tilespmem:v6+s23+$0x0], $0xffff;
	[tilespmem:s4+$0x200] =	vst v23  }
0x1a0: {  	v4 =	vadd.s32 $0xE, v1;
	v6 =	vadd.s32 $0xD, v1;
	v23 =	vld.idx.msk [tilespmem:v33+s23+$0x0], $0xffff;
	v33 =	vadd.s32 $0x8, v30;
	[tilespmem:s4+$0x280] =	vst v24  }
0x1a1: {  	v39 =	vadd.s32 $0xF, v30;
	v3 =	vadd.s32 $0xF, v1;
	v24 =	vld.idx.msk [tilespmem:v34+s23+$0x0], $0xffff;
	[tilespmem:s4+$0x300] =	vst v25  }
0x1a2: {  	v40 =	vadd.s32 $0x9, v30;
	v25 =	vld.idx.msk [tilespmem:v31+s23+$0x0], $0xffff;
	[tilespmem:s4+$0x380] =	vst v26  }
0x1a3: {  	v41 =	vadd.s32 $0xA, v30;
	v26 =	vld.idx.msk [tilespmem:v35+s23+$0x0], $0xffff;
	[tilespmem:s11+$0x0] =	vst v27  }
.Ltmp5:
0x1a4: {  	v34 =	vadd.s32 $0xB, v30;
	v27 =	vld.idx.msk [tilespmem:v38+s23+$0x0], $0xffff;
	[tilespmem:s4+$0x1080] =	vst v28;
	(pc) =	sbr.rel @p0 .LBB2_9-.Ltmp5, $4  }
0x1a5: {  	v35 =	vadd.s32 $0xC, v30;
	v28 =	vld.idx.msk [tilespmem:v33+s23+$0x0], $0xffff;
	[tilespmem:s4+$0x1100] =	vst v29  }
0x1a6: {  	v33 =	vadd.s32 $0xD, v30;
	v31 =	vld.idx.msk [tilespmem:v39+s23+$0x0], $0xffff;
	[tilespmem:s4+$0x1180] =	vst v32  }
0x1a7: {  	s8 =	sshll.u32 s5, $0x8;
	v32 =	vadd.s32 $0xE, v30;
	v29 =	vld.idx.msk [tilespmem:v40+s23+$0x0], $0xffff;
	[tilespmem:s4+$0x1200] =	vst v36  }
0x1a8: {  	s9 =	sshll.u32 s9, $0xA;
	s11 =	sand.u32 $0x3FFFE000, s8;
	v30 =	vld.idx.msk [tilespmem:v41+s23+$0x0], $0xffff;
	[tilespmem:s4+$0x1280] =	vst v37  }
0x1a9: {  	_ =	sdelay $0x3  }
0x1aa: {  	v34 =	vld.idx.msk [tilespmem:v34+s23+$0x0], $0xffff;
	s5 =	sor.u32 s9, s11;
	[tilespmem:s4+$0x1300] =	vst v19  }
0x1ab: {  	v19 =	vld.idx.msk [tilespmem:v35+s23+$0x0], $0xffff;
	[tilespmem:s4+$0x1380] =	vst v18;
	s8 =	sor.u32 $0x1000, s5  }
0x1ac: {  	v18 =	vld.idx.msk [tilespmem:v33+s23+$0x0], $0xffff;
	[tilespmem:s4+$0x0] =	vst v20;
	s16 =	sor.u32 s3, s8  }
0x1ad: {  	v20 =	vld.idx.msk [tilespmem:v32+s23+$0x0], $0xffff;
	[tilespmem:s16+$0x1380] =	vst v31  }
0x1ae: {  	v17 =	vld.idx.msk [tilespmem:v17+s23+$0x0], $0xffff;
	[tilespmem:s16+$0x80] =	vst v21  }
0x1af: {  	v16 =	vld.idx.msk [tilespmem:v16+s23+$0x0], $0xffff;
	[tilespmem:s16+$0x100] =	vst v22  }
0x1b0: {  	v14 =	vld.idx.msk [tilespmem:v14+s23+$0x0], $0xffff;
	[tilespmem:s16+$0x180] =	vst v23  }
0x1b1: {  	v13 =	vld.idx.msk [tilespmem:v13+s23+$0x0], $0xffff;
	[tilespmem:s16+$0x200] =	vst v24  }
0x1b2: {  	v15 =	vld.idx.msk [tilespmem:v15+s23+$0x0], $0xffff;
	[tilespmem:s16+$0x280] =	vst v25  }
0x1b3: {  	v11 =	vld.idx.msk [tilespmem:v11+s23+$0x0], $0xffff;
	s17 =	sadd.s32 $0x2000, s5;
	[tilespmem:s16+$0x300] =	vst v26  }
0x1b4: {  	v12 =	vld.idx.msk [tilespmem:v12+s23+$0x0], $0xffff;
	s18 =	sor.u32 s3, s17;
	[tilespmem:s16+$0x380] =	vst v27  }
0x1b5: {  	v10 =	vld.idx.msk [tilespmem:v10+s23+$0x0], $0xffff;
	[tilespmem:s18+$0x0] =	vst v28  }
0x1b6: {  	v9 =	vld.idx.msk [tilespmem:v9+s23+$0x0], $0xffff;
	[tilespmem:s16+$0x1080] =	vst v29  }
0x1b7: {  	v7 =	vld.idx.msk [tilespmem:v7+s23+$0x0], $0xffff;
	[tilespmem:s16+$0x1100] =	vst v30  }
0x1b8: {  	v8 =	vld.idx.msk [tilespmem:v8+s23+$0x0], $0xffff;
	[tilespmem:s16+$0x1180] =	vst v34  }
0x1b9: {  	v5 =	vld.idx.msk [tilespmem:v5+s23+$0x0], $0xffff;
	[tilespmem:s16+$0x1200] =	vst v19  }
0x1ba: {  	v6 =	vld.idx.msk [tilespmem:v6+s23+$0x0], $0xffff;
	[tilespmem:s16+$0x1280] =	vst v18  }
0x1bb: {  	v4 =	vld.idx.msk [tilespmem:v4+s23+$0x0], $0xffff;
	[tilespmem:s16+$0x1300] =	vst v20  }
0x1bc: {  	v3 =	vld.idx.msk [tilespmem:v3+s23+$0x0], $0xffff;
	s29 =	sor.u32 s0, s8;
	[tilespmem:s16+$0x0] =	vst v2  }
0x1bd: {  	v1 =	vld.idx.msk [tilespmem:v1+s23+$0x0], $0xffff;
	[tilespmem:s29+$0x80] =	vst v17  }
0x1be: {  	[tilespmem:s29+$0x100] =	vst v16  }
0x1bf: {  	[tilespmem:s29+$0x180] =	vst v14  }
0x1c0: {  	[tilespmem:s29+$0x200] =	vst v13  }
0x1c1: {  	[tilespmem:s29+$0x280] =	vst v15  }
0x1c2: {  	[tilespmem:s29+$0x300] =	vst v11  }
0x1c3: {  	s4 =	sor.u32 s0, s17;
	[tilespmem:s29+$0x380] =	vst v12  }
0x1c4: {  	[tilespmem:s4+$0x0] =	vst v10  }
0x1c5: {  	[tilespmem:s29+$0x1080] =	vst v9  }
0x1c6: {  	[tilespmem:s29+$0x1100] =	vst v7  }
0x1c7: {  	[tilespmem:s29+$0x1180] =	vst v8  }
0x1c8: {  	[tilespmem:s29+$0x1200] =	vst v5  }
0x1c9: {  	s5 =	sshll.u32 s30, $0x15;
	[tilespmem:s29+$0x1280] =	vst v6  }
0x1ca: {  	s31 =	sshll.u32 s30, $0x11;
	p0 =	seq.s32 s30, $0x18;
	s0 =	sor.u32 s6, s5;
	[tilespmem:s29+$0x1300] =	vst v4  }
0x1cb: {  	s3 =	sadd.s32 @!p0 s15, s31;
	s0 =	sshrl.u32 s0, $0x3;
	[tilespmem:s29+$0x1380] =	vst v3  }
0x1cc: {  	s5 =	simm.s32 @!p0 $0x400;
	s3 =	sshrl.u32 @!p0 s3, $0x3;
	s8 =	sadd.s32 s2, s0;
	[tilespmem:s29+$0x0] =	vst v1  }
0x1cd: {  	[hbm4b:s8+s25] =	stream.strided.scatter [tilespmem:s25], [sflag:$0x2], $0x8000, s24, s25, $0x38;
	[tilespmem:$0x19100] =	vst v63  }
0x1ce: {  	s3 =	sadd.s32 @!p0 s1, s3;
	s4 =	simm.s32 @!p0 $0x200;
	s8 =	simm.s32 @!p0 $0x0  }
0x1cf: {  	[tilespmem:s8], [sflag:$0x1] =	stream.strided.gather @!p0 [hbm4b:s3+s4], $0x800, s5, s4, $0x38;
	[tilespmem:$0x19100] =	vst v63  }
0x1d0: {  	s9 =	simm.s32 $0x0;
	s11 =	simm.s32 $0x0;
	_ =	swait.ge [sflag:s22], $0x800  }
0x1d1: {  	s12 =	simm.s32 $0x0;
	s3 =	sand.u32 $0x3, s9;
	[sflag:s22] =	ssyncset.done $0x0  }
0x1d2: {  	s4 =	sand.u32 $0x3FFFFF80, s11;
	s13 =	sshll.u32 s3, $0x9;
	[sflag:s22] =	ssyncadd.s32 $0xFFFFF800  }
0x1d3: {  	s11 =	sand.u32 $0x60, s12;
	s4 =	sadd.s32 s4, s13;
	_ =	swait.ge [sflag:s28], $0x8000  }
0x1d4: {  	s9 =	sor.u32 $0x10, s11;
	s4 =	sadd.s32 $0x800, s4;
	[sflag:s28] =	ssyncset.done $0x0  }
0x1d5: {  	s14 =	sor.u32 s9, s4;
	[sflag:s28] =	ssyncadd.s32 $0xFFFF8000  }
0x1d6: {  	v1 =	vld [tilespmem:s14+$0x0];
	_ =	sdelay $0x4  }
0x1d7: {  	v1 =	vmul.f32 v1, v0;
	_ =	sdelay $0x1  }
0x1d8: {  	v1 =	vtrunc.f32 v1  }
0x1d9: {  	v1 =	vcvt.f32.s32 v1;
	_ =	sdelay $0x1  }
0x1da: {  	v1 =	vmul.u32 $0x11, v1;
	_ =	sdelay $0x1  }
0x1db: {  	v2 =	vadd.s32 $0x1, v1  }
0x1dc: {  	s4 =	sor.u32 s11, s4;
	v3 =	vadd.s32 $0x2, v1  }
0x1dd: {  	v5 =	vld [tilespmem:s4+$0x0];
	v4 =	vadd.s32 $0x3, v1  }
0x1de: {  	v6 =	vadd.s32 $0x4, v1  }
0x1df: {  	v8 =	vadd.s32 $0x5, v1;
	v7 =	vld.idx.msk [tilespmem:v1+s23+$0x0], $0xffff  }
0x1e0: {  	v9 =	vadd.s32 $0x6, v1;
	v2 =	vld.idx.msk [tilespmem:v2+s23+$0x0], $0xffff  }
0x1e1: {  	v10 =	vadd.s32 $0x7, v1;
	v3 =	vld.idx.msk [tilespmem:v3+s23+$0x0], $0xffff  }
0x1e2: {  	v5 =	vmul.f32 v5, v0;
	v11 =	vadd.s32 $0x8, v1;
	v4 =	vld.idx.msk [tilespmem:v4+s23+$0x0], $0xffff  }
0x1e3: {  	v12 =	vadd.s32 $0xF, v1;
	v6 =	vld.idx.msk [tilespmem:v6+s23+$0x0], $0xffff  }
0x1e4: {  	v5 =	vtrunc.f32 v5;
	v13 =	vadd.s32 $0x9, v1;
	v8 =	vld.idx.msk [tilespmem:v8+s23+$0x0], $0xffff  }
0x1e5: {  	v5 =	vcvt.f32.s32 v5;
	v14 =	vadd.s32 $0xA, v1;
	v9 =	vld.idx.msk [tilespmem:v9+s23+$0x0], $0xffff  }
0x1e6: {  	v15 =	vadd.s32 $0xB, v1;
	v10 =	vld.idx.msk [tilespmem:v10+s23+$0x0], $0xffff  }
0x1e7: {  	v5 =	vmul.u32 $0x11, v5;
	v16 =	vadd.s32 $0xC, v1;
	v11 =	vld.idx.msk [tilespmem:v11+s23+$0x0], $0xffff  }
0x1e8: {  	v17 =	vadd.s32 $0xD, v1;
	v12 =	vld.idx.msk [tilespmem:v12+s23+$0x0], $0xffff  }
0x1e9: {  	v18 =	vadd.s32 $0x1, v5;
	v13 =	vld.idx.msk [tilespmem:v13+s23+$0x0], $0xffff  }
0x1ea: {  	s16 =	simm.s32 $0x0;
	v19 =	vadd.s32 $0x2, v5;
	v14 =	vld.idx.msk [tilespmem:v14+s23+$0x0], $0xffff  }
0x1eb: {  	s18 =	simm.s32 $0x0;
	s17 =	sand.u32 $0x3FFFE000, s16;
	s12 =	simm.s32 $0x8;
	v1 =	vadd.s32 $0xE, v1;
	v15 =	vld.idx.msk [tilespmem:v15+s23+$0x0], $0xffff  }
0x1ec: {  	s5 =	sand.u32 $0x3, s18;
	s3 =	sshll.u32 s3, $0xA;
	s12 =	sand.u32 $0x3FFFFF80, s12;
	v16 =	vld.idx.msk [tilespmem:v16+s23+$0x0], $0xffff  }
0x1ed: {  	s13 =	sshll.u32 s5, $0x9;
	s8 =	sor.u32 s3, s17;
	s4 =	simm.s32 $0x20;
	v17 =	vld.idx.msk [tilespmem:v17+s23+$0x0], $0xffff  }
0x1ee: {  	s12 =	sadd.s32 s12, s13;
	s29 =	sadd.s32 $0x9000, s8;
	s3 =	sand.u32 $0x60, s4;
	v20 =	vadd.s32 $0x3, v5;
	v22 =	vld.idx.msk [tilespmem:v18+s23+$0x0], $0xffff  }
0x1ef: {  	s12 =	sadd.s32 $0x800, s12;
	s14 =	sor.u32 s9, s29;
	s17 =	sor.u32 $0x10, s3;
	v21 =	vadd.s32 $0x4, v5;
	v23 =	vld.idx.msk [tilespmem:v19+s23+$0x0], $0xffff  }
0x1f0: {  	s16 =	sor.u32 s17, s12;
	v18 =	vadd.s32 $0x5, v5;
	v1 =	vld.idx.msk [tilespmem:v1+s23+$0x0], $0xffff;
	[tilespmem:s14+$0x1380] =	vst v12  }
0x1f1: {  	s12 =	sor.u32 s3, s12;
	v19 =	vadd.s32 $0x6, v5;
	v12 =	vld [tilespmem:s16+$0x0];
	[tilespmem:s14+$0x80] =	vst v2  }
0x1f2: {  	v25 =	vadd.s32 $0x8, v5;
	v2 =	vld [tilespmem:s12+$0x0];
	[tilespmem:s14+$0x100] =	vst v3  }
0x1f3: {  	v24 =	vadd.s32 $0x7, v5;
	v3 =	vld.idx.msk [tilespmem:v20+s23+$0x0], $0xffff;
	[tilespmem:s14+$0x180] =	vst v4  }
0x1f4: {  	v20 =	vadd.s32 $0x9, v5;
	v4 =	vld.idx.msk [tilespmem:v21+s23+$0x0], $0xffff;
	[tilespmem:s14+$0x200] =	vst v6  }
0x1f5: {  	v21 =	vadd.s32 $0xA, v5;
	v6 =	vld.idx.msk [tilespmem:v18+s23+$0x0], $0xffff;
	[tilespmem:s14+$0x280] =	vst v8  }
0x1f6: {  	s8 =	sadd.s32 $0xA000, s8;
	v18 =	vadd.s32 $0xB, v5;
	v8 =	vld.idx.msk [tilespmem:v19+s23+$0x0], $0xffff;
	[tilespmem:s14+$0x300] =	vst v9;
	v9 =	vmul.f32 v12, v0  }
0x1f7: {  	s9 =	sor.u32 s9, s8;
	v19 =	vadd.s32 $0xC, v5;
	[tilespmem:s14+$0x380] =	vst v10;
	v10 =	vld.idx.msk [tilespmem:v25+s23+$0x0], $0xffff  }
0x1f8: {  	v25 =	vadd.s32 $0xE, v5;
	[tilespmem:s9+$0x0] =	vst v11;
	v12 =	vld.idx.msk [tilespmem:v24+s23+$0x0], $0xffff;
	v9 =	vtrunc.f32 v9  }
0x1f9: {  	[tilespmem:s14+$0x1080] =	vst v13;
	v29 =	vld.idx.msk [tilespmem:v20+s23+$0x0], $0xffff;
	v9 =	vcvt.f32.s32 v9  }
0x1fa: {  	v11 =	vadd.s32 $0xF, v5;
	[tilespmem:s14+$0x1100] =	vst v14;
	v30 =	vld.idx.msk [tilespmem:v21+s23+$0x0], $0xffff  }
0x1fb: {  	[tilespmem:s14+$0x1180] =	vst v15;
	v24 =	vadd.s32 $0xD, v5;
	v63 =	vld.idx.msk [tilespmem:v18+s23+$0x0], $0xffff;
	v37 =	vmul.u32 $0x11, v9  }
0x1fc: {  	[tilespmem:s14+$0x1200] =	vst v16;
	v38 =	vld.idx.msk [tilespmem:v19+s23+$0x0], $0xffff  }
0x1fd: {  	[tilespmem:s14+$0x1280] =	vst v17;
	v2 =	vmul.f32 v2, v0;
	v20 =	vld.idx.msk [tilespmem:v25+s23+$0x0], $0xffff;
	v9 =	vadd.s32 $0x1, v37  }
0x1fe: {  	[tilespmem:s14+$0x0] =	vst v7;
	v21 =	vld.idx.msk [tilespmem:v5+s23+$0x0], $0xffff;
	v13 =	vadd.s32 $0x2, v37  }
0x1ff: {  	s9 =	sor.u32 s11, s29;
	[tilespmem:s14+$0x1300] =	vst v1;
	v19 =	vld.idx.msk [tilespmem:v11+s23+$0x0], $0xffff;
	v1 =	vtrunc.f32 v2;
	v7 =	vadd.s32 $0x3, v37  }
0x200: {  	v1 =	vcvt.f32.s32 v1;
	v18 =	vld.idx.msk [tilespmem:v24+s23+$0x0], $0xffff;
	[tilespmem:s9+$0x80] =	vst v22;
	v5 =	vadd.s32 $0x4, v37  }
0x201: {  	[tilespmem:s9+$0x100] =	vst v23;
	v26 =	vadd.s32 $0x5, v37;
	v2 =	vld.idx.msk [tilespmem:v37+s23+$0x0], $0xffff  }
0x202: {  	v1 =	vmul.u32 $0x11, v1;
	[tilespmem:s9+$0x180] =	vst v3;
	v27 =	vadd.s32 $0x6, v37;
	v22 =	vld.idx.msk [tilespmem:v9+s23+$0x0], $0xffff  }
0x203: {  	[tilespmem:s9+$0x200] =	vst v4;
	v3 =	vadd.s32 $0x7, v37;
	v23 =	vld.idx.msk [tilespmem:v13+s23+$0x0], $0xffff  }
0x204: {  	[tilespmem:s9+$0x280] =	vst v6;
	v17 =	vadd.s32 $0x1, v1;
	v4 =	vadd.s32 $0x8, v37;
	v24 =	vld.idx.msk [tilespmem:v7+s23+$0x0], $0xffff  }
0x205: {  	[tilespmem:s9+$0x300] =	vst v8;
	v16 =	vadd.s32 $0x2, v1;
	v11 =	vadd.s32 $0x3, v1;
	v31 =	vadd.s32 $0xF, v37;
	v25 =	vld.idx.msk [tilespmem:v5+s23+$0x0], $0xffff  }
0x206: {  	s8 =	sor.u32 s11, s8;
	[tilespmem:s9+$0x380] =	vst v12;
	v14 =	vadd.s32 $0x4, v1;
	v15 =	vadd.s32 $0x5, v1;
	v39 =	vadd.s32 $0x9, v37;
	v26 =	vld.idx.msk [tilespmem:v26+s23+$0x0], $0xffff  }
0x207: {  	[tilespmem:s8+$0x0] =	vst v10;
	v12 =	vadd.s32 $0x6, v1;
	v10 =	vadd.s32 $0x9, v1;
	v36 =	vadd.s32 $0xA, v37;
	v27 =	vld.idx.msk [tilespmem:v27+s23+$0x0], $0xffff  }
0x208: {  	v8 =	vadd.s32 $0xB, v1;
	[tilespmem:s9+$0x1080] =	vst v29;
	v6 =	vadd.s32 $0xD, v1;
	v35 =	vadd.s32 $0xB, v37;
	v28 =	vld.idx.msk [tilespmem:v3+s23+$0x0], $0xffff  }
0x209: {  	[tilespmem:s9+$0x1100] =	vst v30;
	v34 =	vadd.s32 $0xC, v37;
	v33 =	vadd.s32 $0xD, v37;
	v32 =	vadd.s32 $0xE, v37;
	v29 =	vld.idx.msk [tilespmem:v4+s23+$0x0], $0xffff  }
0x20a: {  	[tilespmem:s9+$0x1180] =	vst v63;
	v13 =	vadd.s32 $0x7, v1;
	v9 =	vadd.s32 $0x8, v1;
	v7 =	vadd.s32 $0xA, v1;
	v31 =	vld.idx.msk [tilespmem:v31+s23+$0x0], $0xffff  }
0x20b: {  	s12 =	simm.s32 $0x200;
	s11 =	simm.s32 $0x2;
	[tilespmem:s9+$0x1200] =	vst v38;
	v5 =	vadd.s32 $0xC, v1;
	v3 =	vadd.s32 $0xE, v1;
	v4 =	vadd.s32 $0xF, v1;
	v30 =	vld.idx.msk [tilespmem:v39+s23+$0x0], $0xffff  }
.LBB2_11:
0x20c: {  	s11 =	sadd.s32 $0x2, s11;
	s8 =	sand.u32 $0x3FFFE000, s12;
	s5 =	sshll.u32 s5, $0xA;
	v36 =	vld.idx.msk [tilespmem:v36+s23+$0x0], $0xffff;
	[tilespmem:s9+$0x1280] =	vst v18  }
0x20d: {  	s4 =	sadd.s32 $0x20, s4;
	s12 =	sshrl.u32 s11, $0x3;
	s8 =	sor.u32 s5, s8;
	v18 =	vld.idx.msk [tilespmem:v35+s23+$0x0], $0xffff;
	[tilespmem:s9+$0x1300] =	vst v20  }
0x20e: {  	s5 =	sand.u32 $0x3, s12;
	s12 =	sshll.u32 s11, $0x2;
	s14 =	sadd.s32 $0x9000, s8;
	v20 =	vld.idx.msk [tilespmem:v34+s23+$0x0], $0xffff;
	[tilespmem:s9+$0x1380] =	vst v19  }
0x20f: {  	s16 =	sshll.u32 s5, $0x9;
	s12 =	sand.u32 $0x3FFFFF80, s12;
	v19 =	vld.idx.msk [tilespmem:v33+s23+$0x0], $0xffff;
	s13 =	sor.u32 s17, s14;
	[tilespmem:s9+$0x0] =	vst v21  }
0x210: {  	s18 =	sand.u32 $0x60, s4;
	s8 =	sadd.s32 $0xA000, s8;
	s9 =	sadd.s32 s12, s16;
	v21 =	vld.idx.msk [tilespmem:v32+s23+$0x0], $0xffff;
	[tilespmem:s13+$0x1380] =	vst v31  }
0x211: {  	s16 =	sor.u32 $0x10, s18;
	s12 =	sadd.s32 $0x800, s9;
	v31 =	vld.idx.msk [tilespmem:v17+s23+$0x0], $0xffff;
	s9 =	sor.u32 s3, s14;
	[tilespmem:s13+$0x80] =	vst v22  }
0x212: {  	s14 =	sor.u32 s18, s12;
	s29 =	sor.u32 s16, s12;
	v22 =	vld.idx.msk [tilespmem:v16+s23+$0x0], $0xffff;
	s12 =	sor.u32 s3, s8;
	[tilespmem:s13+$0x100] =	vst v23  }
0x213: {  	s8 =	sor.u32 s17, s8;
	s3 =	smov.u32 s18;
	s17 =	smov.u32 s16;
	v16 =	vld [tilespmem:s29+$0x0];
	[tilespmem:s13+$0x180] =	vst v24  }
0x214: {  	p1 =	slt.u32 s11, $0x7E;
	v17 =	vld [tilespmem:s14+$0x0];
	[tilespmem:s13+$0x200] =	vst v25  }
0x215: {  	v23 =	vld.idx.msk [tilespmem:v11+s23+$0x0], $0xffff;
	[tilespmem:s13+$0x280] =	vst v26  }
0x216: {  	v24 =	vld.idx.msk [tilespmem:v14+s23+$0x0], $0xffff;
	[tilespmem:s13+$0x300] =	vst v27  }
0x217: {  	v25 =	vld.idx.msk [tilespmem:v15+s23+$0x0], $0xffff;
	[tilespmem:s13+$0x380] =	vst v28  }
0x218: {  	v11 =	vmul.f32 v16, v0;
	v26 =	vld.idx.msk [tilespmem:v12+s23+$0x0], $0xffff;
	[tilespmem:s8+$0x0] =	vst v29  }
0x219: {  	v12 =	vmul.f32 v17, v0;
	v27 =	vld.idx.msk [tilespmem:v13+s23+$0x0], $0xffff;
	[tilespmem:s13+$0x1080] =	vst v30  }
0x21a: {  	v11 =	vtrunc.f32 v11;
	v28 =	vld.idx.msk [tilespmem:v9+s23+$0x0], $0xffff;
	[tilespmem:s13+$0x1100] =	vst v36  }
0x21b: {  	v9 =	vtrunc.f32 v12;
	v11 =	vcvt.f32.s32 v11;
	v29 =	vld.idx.msk [tilespmem:v10+s23+$0x0], $0xffff;
	[tilespmem:s13+$0x1180] =	vst v18  }
0x21c: {  	v9 =	vcvt.f32.s32 v9;
	v30 =	vld.idx.msk [tilespmem:v7+s23+$0x0], $0xffff;
	[tilespmem:s13+$0x1200] =	vst v20  }
0x21d: {  	v32 =	vmul.u32 $0x11, v11;
	v37 =	vld.idx.msk [tilespmem:v8+s23+$0x0], $0xffff;
	[tilespmem:s13+$0x1280] =	vst v19  }
0x21e: {  	v7 =	vmul.u32 $0x11, v9;
	v38 =	vld.idx.msk [tilespmem:v5+s23+$0x0], $0xffff;
	[tilespmem:s13+$0x1300] =	vst v21  }
0x21f: {  	v5 =	vadd.s32 $0x1, v32;
	v18 =	vld.idx.msk [tilespmem:v6+s23+$0x0], $0xffff;
	[tilespmem:s13+$0x0] =	vst v2  }
0x220: {  	v6 =	vadd.s32 $0x2, v32;
	v17 =	vadd.s32 $0x1, v7;
	v16 =	vadd.s32 $0x2, v7;
	v20 =	vld.idx.msk [tilespmem:v3+s23+$0x0], $0xffff  }
0x221: {  	v33 =	vadd.s32 $0x3, v32;
	v11 =	vadd.s32 $0x3, v7;
	v14 =	vadd.s32 $0x4, v7;
	v19 =	vld.idx.msk [tilespmem:v4+s23+$0x0], $0xffff  }
0x222: {  	v34 =	vadd.s32 $0x4, v32;
	v15 =	vadd.s32 $0x5, v7;
	v12 =	vadd.s32 $0x6, v7;
	v21 =	vld.idx.msk [tilespmem:v1+s23+$0x0], $0xffff;
	[tilespmem:s9+$0x80] =	vst v31;
	v1 =	vmovc v7  }
0x223: {  	v31 =	vadd.s32 $0x5, v32;
	v13 =	vadd.s32 $0x7, v1;
	v9 =	vadd.s32 $0x8, v1;
	v2 =	vld.idx.msk [tilespmem:v32+s23+$0x0], $0xffff;
	[tilespmem:s9+$0x100] =	vst v22  }
0x224: {  	v35 =	vadd.s32 $0x6, v32;
	v10 =	vadd.s32 $0x9, v1;
	v7 =	vadd.s32 $0xA, v1;
	v22 =	vld.idx.msk [tilespmem:v5+s23+$0x0], $0xffff;
	[tilespmem:s9+$0x180] =	vst v23  }
0x225: {  	v39 =	vadd.s32 $0x7, v32;
	v8 =	vadd.s32 $0xB, v1;
	v5 =	vadd.s32 $0xC, v1;
	v23 =	vld.idx.msk [tilespmem:v6+s23+$0x0], $0xffff;
	[tilespmem:s9+$0x200] =	vst v24  }
0x226: {  	v3 =	vadd.s32 $0xE, v1;
	v6 =	vadd.s32 $0xD, v1;
	v24 =	vld.idx.msk [tilespmem:v33+s23+$0x0], $0xffff;
	v33 =	vadd.s32 $0x8, v32;
	[tilespmem:s9+$0x280] =	vst v25  }
0x227: {  	v40 =	vadd.s32 $0xF, v32;
	v4 =	vadd.s32 $0xF, v1;
	v25 =	vld.idx.msk [tilespmem:v34+s23+$0x0], $0xffff;
	[tilespmem:s9+$0x300] =	vst v26  }
0x228: {  	v41 =	vadd.s32 $0x9, v32;
	v26 =	vld.idx.msk [tilespmem:v31+s23+$0x0], $0xffff;
	[tilespmem:s9+$0x380] =	vst v27  }
.Ltmp6:
0x229: {  	v36 =	vadd.s32 $0xA, v32;
	v27 =	vld.idx.msk [tilespmem:v35+s23+$0x0], $0xffff;
	[tilespmem:s12+$0x0] =	vst v28;
	(pc) =	sbr.rel @p1 .LBB2_11-.Ltmp6, $4  }
0x22a: {  	v35 =	vadd.s32 $0xB, v32;
	v28 =	vld.idx.msk [tilespmem:v39+s23+$0x0], $0xffff;
	[tilespmem:s9+$0x1080] =	vst v29  }
0x22b: {  	v34 =	vadd.s32 $0xC, v32;
	v29 =	vld.idx.msk [tilespmem:v33+s23+$0x0], $0xffff;
	[tilespmem:s9+$0x1100] =	vst v30  }
0x22c: {  	v33 =	vadd.s32 $0xD, v32;
	v31 =	vld.idx.msk [tilespmem:v40+s23+$0x0], $0xffff;
	[tilespmem:s9+$0x1180] =	vst v37  }
0x22d: {  	s12 =	sshll.u32 s11, $0x8;
	v32 =	vadd.s32 $0xE, v32;
	v30 =	vld.idx.msk [tilespmem:v41+s23+$0x0], $0xffff;
	[tilespmem:s9+$0x1200] =	vst v38  }
0x22e: {  	_ =	sdelay $0x3  }
0x22f: {  	v36 =	vld.idx.msk [tilespmem:v36+s23+$0x0], $0xffff  }
0x230: {  	v60 =	vld.idx.msk [tilespmem:v35+s23+$0x0], $0xffff  }
0x231: {  	v61 =	vld.idx.msk [tilespmem:v34+s23+$0x0], $0xffff  }
0x232: {  	v62 =	vld.idx.msk [tilespmem:v33+s23+$0x0], $0xffff  }
0x233: {  	v63 =	vld.idx.msk [tilespmem:v32+s23+$0x0], $0xffff  }
0x234: {  	v17 =	vld.idx.msk [tilespmem:v17+s23+$0x0], $0xffff  }
0x235: {  	v16 =	vld.idx.msk [tilespmem:v16+s23+$0x0], $0xffff  }
0x236: {  	s4 =	sand.u32 $0x3FFFE000, s12;
	s5 =	sshll.u32 s5, $0xA;
	[tilespmem:s9+$0x1280] =	vst v18;
	v11 =	vld.idx.msk [tilespmem:v11+s23+$0x0], $0xffff  }
0x237: {  	[tilespmem:s9+$0x1300] =	vst v20;
	v14 =	vld.idx.msk [tilespmem:v14+s23+$0x0], $0xffff;
	s4 =	sor.u32 s5, s4  }
0x238: {  	[tilespmem:s9+$0x1380] =	vst v19;
	v15 =	vld.idx.msk [tilespmem:v15+s23+$0x0], $0xffff;
	s5 =	sadd.s32 $0x9000, s4  }
0x239: {  	[tilespmem:s9+$0x0] =	vst v21;
	v12 =	vld.idx.msk [tilespmem:v12+s23+$0x0], $0xffff;
	s8 =	sor.u32 s17, s5  }
0x23a: {  	v13 =	vld.idx.msk [tilespmem:v13+s23+$0x0], $0xffff;
	[tilespmem:s8+$0x1380] =	vst v31  }
0x23b: {  	v9 =	vld.idx.msk [tilespmem:v9+s23+$0x0], $0xffff;
	[tilespmem:s8+$0x80] =	vst v22  }
0x23c: {  	v10 =	vld.idx.msk [tilespmem:v10+s23+$0x0], $0xffff;
	[tilespmem:s8+$0x100] =	vst v23  }
0x23d: {  	v7 =	vld.idx.msk [tilespmem:v7+s23+$0x0], $0xffff;
	[tilespmem:s8+$0x180] =	vst v24  }
0x23e: {  	v8 =	vld.idx.msk [tilespmem:v8+s23+$0x0], $0xffff;
	[tilespmem:s8+$0x200] =	vst v25  }
0x23f: {  	v5 =	vld.idx.msk [tilespmem:v5+s23+$0x0], $0xffff;
	[tilespmem:s8+$0x280] =	vst v26  }
0x240: {  	v6 =	vld.idx.msk [tilespmem:v6+s23+$0x0], $0xffff;
	s4 =	sadd.s32 $0xA000, s4;
	[tilespmem:s8+$0x300] =	vst v27  }
0x241: {  	v3 =	vld.idx.msk [tilespmem:v3+s23+$0x0], $0xffff;
	s18 =	sor.u32 s17, s4;
	[tilespmem:s8+$0x380] =	vst v28  }
0x242: {  	v4 =	vld.idx.msk [tilespmem:v4+s23+$0x0], $0xffff;
	s5 =	sor.u32 s3, s5;
	[tilespmem:s18+$0x0] =	vst v29  }
0x243: {  	v1 =	vld.idx.msk [tilespmem:v1+s23+$0x0], $0xffff;
	[tilespmem:s5+$0x80] =	vst v17  }
0x244: {  	[tilespmem:s5+$0x100] =	vst v16  }
0x245: {  	[tilespmem:s5+$0x180] =	vst v11  }
0x246: {  	[tilespmem:s5+$0x200] =	vst v14  }
0x247: {  	[tilespmem:s5+$0x280] =	vst v15  }
0x248: {  	[tilespmem:s5+$0x300] =	vst v12  }
0x249: {  	[tilespmem:s5+$0x380] =	vst v13  }
0x24a: {  	[tilespmem:s8+$0x1080] =	vst v30  }
0x24b: {  	[tilespmem:s8+$0x1100] =	vst v36  }
0x24c: {  	[tilespmem:s8+$0x1180] =	vst v60  }
0x24d: {  	[tilespmem:s8+$0x1200] =	vst v61  }
0x24e: {  	[tilespmem:s8+$0x1280] =	vst v62  }
0x24f: {  	[tilespmem:s8+$0x1300] =	vst v63  }
0x250: {  	s29 =	sor.u32 s3, s4;
	[tilespmem:s8+$0x0] =	vst v2  }
0x251: {  	[tilespmem:s29+$0x0] =	vst v9  }
0x252: {  	[tilespmem:s5+$0x1080] =	vst v10  }
0x253: {  	[tilespmem:s5+$0x1100] =	vst v7  }
0x254: {  	[tilespmem:s5+$0x1180] =	vst v8  }
0x255: {  	[tilespmem:s5+$0x1200] =	vst v5  }
.Ltmp7:
0x256: {  	[tilespmem:s5+$0x1280] =	vst v6;
	(pc) =	sbr.rel @p0 .LBB2_14-.Ltmp7, $4  }
0x257: {  	[tilespmem:s5+$0x1300] =	vst v3  }
0x258: {  	[tilespmem:s5+$0x1380] =	vst v4  }
0x259: {  	s0 =	sadd.s32 s0, s10;
	[tilespmem:s5+$0x0] =	vst v1  }
0x25a: {  	[hbm4b:s0+s25] =	stream.strided.scatter [tilespmem:s26], [sflag:$0x2], $0x8000, s24, s25, $0x38;
	[tilespmem:$0x19100] =	vst v63  }
.Ltmp8:
0x25b: {  	(pc) =	sbr.rel .LBB2_8-.Ltmp8, $4  }
0x25c: {  	s0 =	sadd.s32 s15, s31  }
0x25d: {  	s0 =	sshrl.u32 s0, $0x3  }
0x25e: {  	s30 =	sadd.s32 $0x1, s30;
	s0 =	sadd.s32 s0, s7  }
0x25f: {  	[tilespmem:s21], [sflag:$0x1] =	stream.strided.gather [hbm4b:s0+s19], $0x800, s20, s19, $0x38;
	[tilespmem:$0x19100] =	vst v63  }
.LBB2_15:
0x260: {  	_ =	sfence.sel $0x180000  }
0x261: {  	[bflag:$0x0] =	sbarrier.arrive $0xFFFF  }
0x262: {  	_ =	strace $0x90000047  }
0x263: {  	s0 =	stileid.u32;
	[bflag:$0x2] =	sbarrier.arrive $0xFFFF  }
0x264: {  	p0 =	sne.s32 s0, $0x0;
	s0 =	rddreg [dreg:$0x3]  }
0x265: {  	s0 =	sadd.s32 @!p0 $0x100000, s0  }
0x266: {  	[sflag:s0] =	ssyncadd.tile.s32 @!p0 $0x1;
	_ =	shalt  }
.Lfunc_end2:
_tile_overlayer_lowered:
.L_overlay_start_2:
0x267: {  	(tag) =	ssettag $0x2  }
0x268: {  	s0 =	rddreg [dreg:$0x0];
	s2 =	stileid.u32  }
0x269: {  	s1 =	rddreg [dreg:$0x1];
	p0 =	sne.s32 s2, $0x0  }
0x26a: {  	s3 =	rddreg [dreg:$0x2];
	[bflag:$0x3] =	sbarrier.arrive $0xFFFF;
	s2 =	simm.s32 @!p0 $0x1C03  }
0x26b: {  	[timem:s3], [sflag:s2] =	dma.local @!p0 [hbm:s0], s1  }
0x26c: {  	s0 =	simm.s32 @!p0 $0x3  }
0x26d: {  	_ =	swait.ge @!p0 [sflag:s0], s1  }
0x26e: {  	s1 =	ssub.s32 @!p0 $0x0, s1;
	[sflag:s0] =	ssyncset.done @!p0 $0x0  }
0x26f: {  	[sflag:s0] =	ssyncadd.s32 @!p0 s1  }
0x270: {  	[bflag:$0x3] =	sbarrier.arrive $0xFFFF  }
0x271: {  	_ =	shalt  }

</sc_bundles>
